<compile_context>
chip_gen: v7x
topology: tpu7x:2x2x1
jax: 0.10.2.dev20260603
libtpu: 0.0.44.dev20260713+nightly
codegen_flags: <defaults>
</compile_context>

<pallas_src>
import jax
import jax.numpy as jnp
import numpy as np
from jax import lax
from jax.experimental import pallas as pl
from jax.experimental.pallas import tpu as pltpu
from jax.experimental.pallas import tpu_sc as plsc

D = 64
_TRIL = D * (D + 1) // 2
_XW = D + _TRIL
_NC, _NS = 2, 16
_NW = _NC * _NS
_R = 4
_CHUNKS = _TRIL // 16


def _sc_body(x_hbm, ti_hbm, tj_hbm, loc_hbm, out_hbm,
             x_v0, x_v1, ti_v, tj_v, loc_v0, loc_v1, out_v0, out_v1,
             in_s0, in_s1, out_s0, out_s1, loc_s0, loc_s1):
    c = lax.axis_index("c")
    s = lax.axis_index("s")
    wid = s * _NC + c
    rows_per_w = x_hbm.shape[0] // _NW
    groups = rows_per_w // _R
    base0 = wid * rows_per_w

    x_v = [x_v0, x_v1]
    loc_v = [loc_v0, loc_v1]
    out_v = [out_v0, out_v1]
    in_s = [in_s0, in_s1]
    out_s = [out_s0, out_s1]
    loc_s = [loc_s0, loc_s1]

    pltpu.sync_copy(ti_hbm, ti_v)
    pltpu.sync_copy(tj_hbm, tj_v)

    zeros16 = jnp.zeros((16,), jnp.float32)

    for r in range(_R):
        def zero_body(i, carry):
            for cc in range(D // 16):
                out_v0[r, i, pl.ds(cc * 16, 16)] = zeros16
                out_v1[r, i, pl.ds(cc * 16, 16)] = zeros16
            return carry

        lax.fori_loop(0, D, zero_body, 0)

    def in_copy(g, b):
        base = base0 + g * _R
        return pltpu.make_async_copy(
            x_hbm.at[pl.ds(base, _R)], x_v[b], in_s[b])

    def out_copy(g, b):
        base = base0 + g * _R
        return pltpu.make_async_copy(
            out_v[b], out_hbm.at[pl.ds(base, _R)], out_s[b])

    def loc_copy(g, b):
        base = base0 + g * _R
        return pltpu.make_async_copy(
            loc_v[b], loc_hbm.at[pl.ds(base, _R)], loc_s[b])

    in_copy(0, 0).start()
    in_copy(1, 1).start()

    def compute(g, b):
        xb, ob, lb = x_v[b], out_v[b], loc_v[b]

        def chunk_body(k, carry2):
            di = ti_v[pl.ds(k * 16, 16)]
            dj = tj_v[pl.ds(k * 16, 16)]
            diag = di == dj
            for rr in range(_R):
                v = xb[rr, pl.ds(D + k * 16, 16)]
                v = jnp.where(diag, jnp.exp(v), v)
                plsc.store_scatter(
                    ob, [jnp.full((16,), rr, jnp.int32), di, dj], v)
            return carry2

        lax.fori_loop(0, _CHUNKS, chunk_body, 0)

        for rr in range(_R):
            for cc in range(4):
                lb[rr, pl.ds(cc * 16, 16)] = xb[rr, pl.ds(cc * 16, 16)]

    def group_body(gg, carry):
        for b in range(2):
            g = gg * 2 + b
            in_copy(g, b).wait()

            @pl.when(g >= 2)
            def _():
                out_copy(g - 2, b).wait()
                loc_copy(g - 2, b).wait()

            compute(g, b)
            out_copy(g, b).start()
            loc_copy(g, b).start()

            @pl.when(g + 2 < groups)
            def _():
                in_copy(g + 2, b).start()
        return carry

    lax.fori_loop(0, groups // 2, group_body, 0)

    for b in range(2):
        g = groups - 2 + b
        out_copy(g, b).wait()
        loc_copy(g, b).wait()


def kernel(x):
    B = x.shape[0]
    ti, tj = np.tril_indices(D)
    ti_a = jnp.asarray(ti.astype(np.int32))
    tj_a = jnp.asarray(tj.astype(np.int32))

    mesh = plsc.VectorSubcoreMesh(
        core_axis_name="c", subcore_axis_name="s",
        num_cores=_NC, num_subcores=_NS)
    run = pl.kernel(
        _sc_body,
        out_type=[
            jax.ShapeDtypeStruct((B, D), jnp.float32),
            jax.ShapeDtypeStruct((B, D, D), jnp.float32),
        ],
        mesh=mesh,
        scratch_types=[
            pltpu.VMEM((_R, _XW), jnp.float32),
            pltpu.VMEM((_R, _XW), jnp.float32),
            pltpu.VMEM((_TRIL,), jnp.int32),
            pltpu.VMEM((_TRIL,), jnp.int32),
            pltpu.VMEM((_R, D), jnp.float32),
            pltpu.VMEM((_R, D), jnp.float32),
            pltpu.VMEM((_R, D, D), jnp.float32),
            pltpu.VMEM((_R, D, D), jnp.float32),
            pltpu.SemaphoreType.DMA,
            pltpu.SemaphoreType.DMA,
            pltpu.SemaphoreType.DMA,
            pltpu.SemaphoreType.DMA,
            pltpu.SemaphoreType.DMA,
            pltpu.SemaphoreType.DMA,
        ],
        compiler_params=pltpu.CompilerParams(needs_layout_passes=False),
    )
    loc, out = run(x, ti_a, tj_a)
    return loc, out

# --- scband reference (transcript-rebuilt; emitter-appended) ---
"""Pipeline reference for scband-full-covariance-normal-param-extractor-1211180777966 (READ-ONLY COPY).

The authoritative reference and input builder live on the scoring server;
editing this copy changes nothing except your own understanding.
"""

import jax, jax.numpy as jnp
import numpy as np

ACTION_DIM = 64
BATCH = 16384


def setup_inputs(seed: int = 0) -> dict:
    key = jax.random.key(seed)
    tril = ACTION_DIM * (ACTION_DIM + 1) // 2
    x = jax.random.normal(key, (BATCH, ACTION_DIM + tril), dtype=jnp.float32)
    return {"x": x}


def reference(x):
    d = ACTION_DIM
    B = x.shape[0]
    loc = x[:, :d]
    ti, tj = np.tril_indices(d)
    ti = jnp.asarray(ti)
    tj = jnp.asarray(tj)
    # scatter-overwrite the lower-triangular entries (torch: scale_tril[:, ti, tj] = x[:, d:])
    scale_tril = jnp.zeros((B, d, d), dtype=x.dtype)
    scale_tril = scale_tril.at[:, ti, tj].set(x[:, d:])
    # in-place exp of the diagonal (torch: scale_tril.diagonal(dim1=-2, dim2=-1).exp_())
    diag_idx = jnp.arange(d)
    diag = scale_tril[:, diag_idx, diag_idx]
    scale_tril = scale_tril.at[:, diag_idx, diag_idx].set(jnp.exp(diag))
    return loc, scale_tril

if __name__ == "__main__":
    import jax
    _d = setup_inputs()
    print(jax.jit(kernel)(*tuple(_d.values())))

</pallas_src>

<mosaic_0001>
#map = affine_map<(d0, d1) -> (0, 0)>
#map1 = affine_map<(d0, d1) -> (0)>
#map2 = affine_map<(d0, d1) -> (0, 0, 0)>
module attributes {stable_mosaic.version = 14 : i64} {
  func.func @_sc_body(%arg0: i32, %arg1: i32, %arg2: memref<16384x2144xf32, #tpu.memory_space<hbm>>, %arg3: memref<2080xi32, #tpu.memory_space<hbm>>, %arg4: memref<2080xi32, #tpu.memory_space<hbm>>, %arg5: memref<16384x64xf32, #tpu.memory_space<hbm>>, %arg6: memref<16384x64x64xf32, #tpu.memory_space<hbm>>, %arg7: memref<4x2144xf32, #tpu.memory_space<vmem>>, %arg8: memref<4x2144xf32, #tpu.memory_space<vmem>>, %arg9: memref<2080xi32, #tpu.memory_space<vmem>>, %arg10: memref<2080xi32, #tpu.memory_space<vmem>>, %arg11: memref<4x64xf32, #tpu.memory_space<vmem>>, %arg12: memref<4x64xf32, #tpu.memory_space<vmem>>, %arg13: memref<4x64x64xf32, #tpu.memory_space<vmem>>, %arg14: memref<4x64x64xf32, #tpu.memory_space<vmem>>, %arg15: memref<!tpu.dma_semaphore, #tpu.memory_space<semaphore_mem>>, %arg16: memref<!tpu.dma_semaphore, #tpu.memory_space<semaphore_mem>>, %arg17: memref<!tpu.dma_semaphore, #tpu.memory_space<semaphore_mem>>, %arg18: memref<!tpu.dma_semaphore, #tpu.memory_space<semaphore_mem>>, %arg19: memref<!tpu.dma_semaphore, #tpu.memory_space<semaphore_mem>>, %arg20: memref<!tpu.dma_semaphore, #tpu.memory_space<semaphore_mem>>) attributes {dimension_semantics = [#tpu.dimension_semantics<core_parallel>, #tpu.dimension_semantics<subcore_parallel>], iteration_bounds = array<i64: 2, 16>, scalar_prefetch = 0 : i64, scratch_operands = 14 : i64, tpu.core_type = #tpu.core_type<sc_vector_subcore>, window_params = [{transform_indices = #map}, {transform_indices = #map1}, {transform_indices = #map1}, {transform_indices = #map}, {transform_indices = #map2}]} {
    %mul3A = arith.constant 2 : i32
    %mul3A_0 = arith.muli %arg1, %mul3A : i32
    %add3A = arith.addi %mul3A_0, %arg0 : i32
    %mul3A_1 = arith.constant 512 : i32
    %mul3A_2 = arith.muli %add3A, %mul3A_1 : i32
    "tpu.region"() ({
      %run_scoped3A = tpu.sem_alloc : memref<!tpu.dma_semaphore, #tpu.memory_space<semaphore_mem>>
      tpu.enqueue_dma source(%arg3 : memref<2080xi32, #tpu.memory_space<hbm>>) target(%arg9 : memref<2080xi32, #tpu.memory_space<vmem>>) target_semaphore(%run_scoped3A : memref<!tpu.dma_semaphore, #tpu.memory_space<semaphore_mem>>)
      tpu.wait_dma2 semaphore(%run_scoped3A : memref<!tpu.dma_semaphore, #tpu.memory_space<semaphore_mem>>) src(%arg3 : memref<2080xi32, #tpu.memory_space<hbm>>) dst(%arg9 : memref<2080xi32, #tpu.memory_space<vmem>>)
      tpu.yield
    }) : () -> ()
    "tpu.region"() ({
      %run_scoped3A = tpu.sem_alloc : memref<!tpu.dma_semaphore, #tpu.memory_space<semaphore_mem>>
      tpu.enqueue_dma source(%arg4 : memref<2080xi32, #tpu.memory_space<hbm>>) target(%arg10 : memref<2080xi32, #tpu.memory_space<vmem>>) target_semaphore(%run_scoped3A : memref<!tpu.dma_semaphore, #tpu.memory_space<semaphore_mem>>)
      tpu.wait_dma2 semaphore(%run_scoped3A : memref<!tpu.dma_semaphore, #tpu.memory_space<semaphore_mem>>) src(%arg4 : memref<2080xi32, #tpu.memory_space<hbm>>) dst(%arg10 : memref<2080xi32, #tpu.memory_space<vmem>>)
      tpu.yield
    }) : () -> ()
    %broadcast_in_dim3A = arith.constant 0.000000e+00 : f32
    %broadcast_in_dim3A_3 = vector.broadcast %broadcast_in_dim3A : f32 to vector<16xf32>
    %scan3A = arith.constant 0 : i32
    %scan3A_4 = arith.constant 0 : i32
    %scan3A_5 = arith.constant 64 : i32
    %scan3A_6 = arith.addi %scan3A_4, %scan3A_5 : i32
    %scan3A_7 = arith.constant 1 : i32
    scf.for %scan3A_71 = %scan3A_4 to %scan3A_6 step %scan3A_7  : i32 {
      %swap3A = arith.constant 0 : i32
      %swap3A_72 = arith.index_cast %swap3A : i32 to index
      %swap3A_73 = arith.index_cast %scan3A_71 : i32 to index
      %swap3A_74 = arith.constant 0 : index
      %swap3A_75 = tpu.vector_load %arg13[%swap3A_72, %swap3A_73, %swap3A_74] {strides = array<i32>} : memref<4x64x64xf32, #tpu.memory_space<vmem>>, vector<16xf32>,
      tpu.vector_store %arg13[%swap3A_72, %swap3A_73, %swap3A_74], %broadcast_in_dim3A_3 {strides = array<i32>} : memref<4x64x64xf32, #tpu.memory_space<vmem>>, vector<16xf32>,
      %swap3A_76 = arith.constant 0 : i32
      %swap3A_77 = arith.index_cast %swap3A_76 : i32 to index
      %swap3A_78 = arith.index_cast %scan3A_71 : i32 to index
      %swap3A_79 = arith.constant 0 : index
      %swap3A_80 = tpu.vector_load %arg14[%swap3A_77, %swap3A_78, %swap3A_79] {strides = array<i32>} : memref<4x64x64xf32, #tpu.memory_space<vmem>>, vector<16xf32>,
      tpu.vector_store %arg14[%swap3A_77, %swap3A_78, %swap3A_79], %broadcast_in_dim3A_3 {strides = array<i32>} : memref<4x64x64xf32, #tpu.memory_space<vmem>>, vector<16xf32>,
      %swap3A_81 = arith.constant 0 : i32
      %swap3A_82 = arith.index_cast %swap3A_81 : i32 to index
      %swap3A_83 = arith.index_cast %scan3A_71 : i32 to index
      %swap3A_84 = arith.constant 16 : index
      %swap3A_85 = tpu.vector_load %arg13[%swap3A_82, %swap3A_83, %swap3A_84] {strides = array<i32>} : memref<4x64x64xf32, #tpu.memory_space<vmem>>, vector<16xf32>,
      tpu.vector_store %arg13[%swap3A_82, %swap3A_83, %swap3A_84], %broadcast_in_dim3A_3 {strides = array<i32>} : memref<4x64x64xf32, #tpu.memory_space<vmem>>, vector<16xf32>,
      %swap3A_86 = arith.constant 0 : i32
      %swap3A_87 = arith.index_cast %swap3A_86 : i32 to index
      %swap3A_88 = arith.index_cast %scan3A_71 : i32 to index
      %swap3A_89 = arith.constant 16 : index
      %swap3A_90 = tpu.vector_load %arg14[%swap3A_87, %swap3A_88, %swap3A_89] {strides = array<i32>} : memref<4x64x64xf32, #tpu.memory_space<vmem>>, vector<16xf32>,
      tpu.vector_store %arg14[%swap3A_87, %swap3A_88, %swap3A_89], %broadcast_in_dim3A_3 {strides = array<i32>} : memref<4x64x64xf32, #tpu.memory_space<vmem>>, vector<16xf32>,
      %swap3A_91 = arith.constant 0 : i32
      %swap3A_92 = arith.index_cast %swap3A_91 : i32 to index
      %swap3A_93 = arith.index_cast %scan3A_71 : i32 to index
      %swap3A_94 = arith.constant 32 : index
      %swap3A_95 = tpu.vector_load %arg13[%swap3A_92, %swap3A_93, %swap3A_94] {strides = array<i32>} : memref<4x64x64xf32, #tpu.memory_space<vmem>>, vector<16xf32>,
      tpu.vector_store %arg13[%swap3A_92, %swap3A_93, %swap3A_94], %broadcast_in_dim3A_3 {strides = array<i32>} : memref<4x64x64xf32, #tpu.memory_space<vmem>>, vector<16xf32>,
      %swap3A_96 = arith.constant 0 : i32
      %swap3A_97 = arith.index_cast %swap3A_96 : i32 to index
      %swap3A_98 = arith.index_cast %scan3A_71 : i32 to index
      %swap3A_99 = arith.constant 32 : index
      %swap3A_100 = tpu.vector_load %arg14[%swap3A_97, %swap3A_98, %swap3A_99] {strides = array<i32>} : memref<4x64x64xf32, #tpu.memory_space<vmem>>, vector<16xf32>,
      tpu.vector_store %arg14[%swap3A_97, %swap3A_98, %swap3A_99], %broadcast_in_dim3A_3 {strides = array<i32>} : memref<4x64x64xf32, #tpu.memory_space<vmem>>, vector<16xf32>,
      %swap3A_101 = arith.constant 0 : i32
      %swap3A_102 = arith.index_cast %swap3A_101 : i32 to index
      %swap3A_103 = arith.index_cast %scan3A_71 : i32 to index
      %swap3A_104 = arith.constant 48 : index
      %swap3A_105 = tpu.vector_load %arg13[%swap3A_102, %swap3A_103, %swap3A_104] {strides = array<i32>} : memref<4x64x64xf32, #tpu.memory_space<vmem>>, vector<16xf32>,
      tpu.vector_store %arg13[%swap3A_102, %swap3A_103, %swap3A_104], %broadcast_in_dim3A_3 {strides = array<i32>} : memref<4x64x64xf32, #tpu.memory_space<vmem>>, vector<16xf32>,
      %swap3A_106 = arith.constant 0 : i32
      %swap3A_107 = arith.index_cast %swap3A_106 : i32 to index
      %swap3A_108 = arith.index_cast %scan3A_71 : i32 to index
      %swap3A_109 = arith.constant 48 : index
      %swap3A_110 = tpu.vector_load %arg14[%swap3A_107, %swap3A_108, %swap3A_109] {strides = array<i32>} : memref<4x64x64xf32, #tpu.memory_space<vmem>>, vector<16xf32>,
      tpu.vector_store %arg14[%swap3A_107, %swap3A_108, %swap3A_109], %broadcast_in_dim3A_3 {strides = array<i32>} : memref<4x64x64xf32, #tpu.memory_space<vmem>>, vector<16xf32>,
    }
    %scan3A_8 = arith.constant 64 : i32
    %scan3A_9 = arith.constant 0 : i32
    %scan3A_10 = arith.constant 0 : i32
    %scan3A_11 = arith.constant 64 : i32
    %scan3A_12 = arith.addi %scan3A_10, %scan3A_11 : i32
    %scan3A_13 = arith.constant 1 : i32
    scf.for %scan3A_71 = %scan3A_10 to %scan3A_12 step %scan3A_13  : i32 {
      %swap3A = arith.constant 1 : i32
      %swap3A_72 = arith.index_cast %swap3A : i32 to index
      %swap3A_73 = arith.index_cast %scan3A_71 : i32 to index
      %swap3A_74 = arith.constant 0 : index
      %swap3A_75 = tpu.vector_load %arg13[%swap3A_72, %swap3A_73, %swap3A_74] {strides = array<i32>} : memref<4x64x64xf32, #tpu.memory_space<vmem>>, vector<16xf32>,
      tpu.vector_store %arg13[%swap3A_72, %swap3A_73, %swap3A_74], %broadcast_in_dim3A_3 {strides = array<i32>} : memref<4x64x64xf32, #tpu.memory_space<vmem>>, vector<16xf32>,
      %swap3A_76 = arith.constant 1 : i32
      %swap3A_77 = arith.index_cast %swap3A_76 : i32 to index
      %swap3A_78 = arith.index_cast %scan3A_71 : i32 to index
      %swap3A_79 = arith.constant 0 : index
      %swap3A_80 = tpu.vector_load %arg14[%swap3A_77, %swap3A_78, %swap3A_79] {strides = array<i32>} : memref<4x64x64xf32, #tpu.memory_space<vmem>>, vector<16xf32>,
      tpu.vector_store %arg14[%swap3A_77, %swap3A_78, %swap3A_79], %broadcast_in_dim3A_3 {strides = array<i32>} : memref<4x64x64xf32, #tpu.memory_space<vmem>>, vector<16xf32>,
      %swap3A_81 = arith.constant 1 : i32
      %swap3A_82 = arith.index_cast %swap3A_81 : i32 to index
      %swap3A_83 = arith.index_cast %scan3A_71 : i32 to index
      %swap3A_84 = arith.constant 16 : index
      %swap3A_85 = tpu.vector_load %arg13[%swap3A_82, %swap3A_83, %swap3A_84] {strides = array<i32>} : memref<4x64x64xf32, #tpu.memory_space<vmem>>, vector<16xf32>,
      tpu.vector_store %arg13[%swap3A_82, %swap3A_83, %swap3A_84], %broadcast_in_dim3A_3 {strides = array<i32>} : memref<4x64x64xf32, #tpu.memory_space<vmem>>, vector<16xf32>,
      %swap3A_86 = arith.constant 1 : i32
      %swap3A_87 = arith.index_cast %swap3A_86 : i32 to index
      %swap3A_88 = arith.index_cast %scan3A_71 : i32 to index
      %swap3A_89 = arith.constant 16 : index
      %swap3A_90 = tpu.vector_load %arg14[%swap3A_87, %swap3A_88, %swap3A_89] {strides = array<i32>} : memref<4x64x64xf32, #tpu.memory_space<vmem>>, vector<16xf32>,
      tpu.vector_store %arg14[%swap3A_87, %swap3A_88, %swap3A_89], %broadcast_in_dim3A_3 {strides = array<i32>} : memref<4x64x64xf32, #tpu.memory_space<vmem>>, vector<16xf32>,
      %swap3A_91 = arith.constant 1 : i32
      %swap3A_92 = arith.index_cast %swap3A_91 : i32 to index
      %swap3A_93 = arith.index_cast %scan3A_71 : i32 to index
      %swap3A_94 = arith.constant 32 : index
      %swap3A_95 = tpu.vector_load %arg13[%swap3A_92, %swap3A_93, %swap3A_94] {strides = array<i32>} : memref<4x64x64xf32, #tpu.memory_space<vmem>>, vector<16xf32>,
      tpu.vector_store %arg13[%swap3A_92, %swap3A_93, %swap3A_94], %broadcast_in_dim3A_3 {strides = array<i32>} : memref<4x64x64xf32, #tpu.memory_space<vmem>>, vector<16xf32>,
      %swap3A_96 = arith.constant 1 : i32
      %swap3A_97 = arith.index_cast %swap3A_96 : i32 to index
      %swap3A_98 = arith.index_cast %scan3A_71 : i32 to index
      %swap3A_99 = arith.constant 32 : index
      %swap3A_100 = tpu.vector_load %arg14[%swap3A_97, %swap3A_98, %swap3A_99] {strides = array<i32>} : memref<4x64x64xf32, #tpu.memory_space<vmem>>, vector<16xf32>,
      tpu.vector_store %arg14[%swap3A_97, %swap3A_98, %swap3A_99], %broadcast_in_dim3A_3 {strides = array<i32>} : memref<4x64x64xf32, #tpu.memory_space<vmem>>, vector<16xf32>,
      %swap3A_101 = arith.constant 1 : i32
      %swap3A_102 = arith.index_cast %swap3A_101 : i32 to index
      %swap3A_103 = arith.index_cast %scan3A_71 : i32 to index
      %swap3A_104 = arith.constant 48 : index
      %swap3A_105 = tpu.vector_load %arg13[%swap3A_102, %swap3A_103, %swap3A_104] {strides = array<i32>} : memref<4x64x64xf32, #tpu.memory_space<vmem>>, vector<16xf32>,
      tpu.vector_store %arg13[%swap3A_102, %swap3A_103, %swap3A_104], %broadcast_in_dim3A_3 {strides = array<i32>} : memref<4x64x64xf32, #tpu.memory_space<vmem>>, vector<16xf32>,
      %swap3A_106 = arith.constant 1 : i32
      %swap3A_107 = arith.index_cast %swap3A_106 : i32 to index
      %swap3A_108 = arith.index_cast %scan3A_71 : i32 to index
      %swap3A_109 = arith.constant 48 : index
      %swap3A_110 = tpu.vector_load %arg14[%swap3A_107, %swap3A_108, %swap3A_109] {strides = array<i32>} : memref<4x64x64xf32, #tpu.memory_space<vmem>>, vector<16xf32>,
      tpu.vector_store %arg14[%swap3A_107, %swap3A_108, %swap3A_109], %broadcast_in_dim3A_3 {strides = array<i32>} : memref<4x64x64xf32, #tpu.memory_space<vmem>>, vector<16xf32>,
    }
    %scan3A_14 = arith.constant 64 : i32
    %scan3A_15 = arith.constant 0 : i32
    %scan3A_16 = arith.constant 0 : i32
    %scan3A_17 = arith.constant 64 : i32
    %scan3A_18 = arith.addi %scan3A_16, %scan3A_17 : i32
    %scan3A_19 = arith.constant 1 : i32
    scf.for %scan3A_71 = %scan3A_16 to %scan3A_18 step %scan3A_19  : i32 {
      %swap3A = arith.constant 2 : i32
      %swap3A_72 = arith.index_cast %swap3A : i32 to index
      %swap3A_73 = arith.index_cast %scan3A_71 : i32 to index
      %swap3A_74 = arith.constant 0 : index
      %swap3A_75 = tpu.vector_load %arg13[%swap3A_72, %swap3A_73, %swap3A_74] {strides = array<i32>} : memref<4x64x64xf32, #tpu.memory_space<vmem>>, vector<16xf32>,
      tpu.vector_store %arg13[%swap3A_72, %swap3A_73, %swap3A_74], %broadcast_in_dim3A_3 {strides = array<i32>} : memref<4x64x64xf32, #tpu.memory_space<vmem>>, vector<16xf32>,
      %swap3A_76 = arith.constant 2 : i32
      %swap3A_77 = arith.index_cast %swap3A_76 : i32 to index
      %swap3A_78 = arith.index_cast %scan3A_71 : i32 to index
      %swap3A_79 = arith.constant 0 : index
      %swap3A_80 = tpu.vector_load %arg14[%swap3A_77, %swap3A_78, %swap3A_79] {strides = array<i32>} : memref<4x64x64xf32, #tpu.memory_space<vmem>>, vector<16xf32>,
      tpu.vector_store %arg14[%swap3A_77, %swap3A_78, %swap3A_79], %broadcast_in_dim3A_3 {strides = array<i32>} : memref<4x64x64xf32, #tpu.memory_space<vmem>>, vector<16xf32>,
      %swap3A_81 = arith.constant 2 : i32
      %swap3A_82 = arith.index_cast %swap3A_81 : i32 to index
      %swap3A_83 = arith.index_cast %scan3A_71 : i32 to index
      %swap3A_84 = arith.constant 16 : index
      %swap3A_85 = tpu.vector_load %arg13[%swap3A_82, %swap3A_83, %swap3A_84] {strides = array<i32>} : memref<4x64x64xf32, #tpu.memory_space<vmem>>, vector<16xf32>,
      tpu.vector_store %arg13[%swap3A_82, %swap3A_83, %swap3A_84], %broadcast_in_dim3A_3 {strides = array<i32>} : memref<4x64x64xf32, #tpu.memory_space<vmem>>, vector<16xf32>,
      %swap3A_86 = arith.constant 2 : i32
      %swap3A_87 = arith.index_cast %swap3A_86 : i32 to index
      %swap3A_88 = arith.index_cast %scan3A_71 : i32 to index
      %swap3A_89 = arith.constant 16 : index
      %swap3A_90 = tpu.vector_load %arg14[%swap3A_87, %swap3A_88, %swap3A_89] {strides = array<i32>} : memref<4x64x64xf32, #tpu.memory_space<vmem>>, vector<16xf32>,
      tpu.vector_store %arg14[%swap3A_87, %swap3A_88, %swap3A_89], %broadcast_in_dim3A_3 {strides = array<i32>} : memref<4x64x64xf32, #tpu.memory_space<vmem>>, vector<16xf32>,
      %swap3A_91 = arith.constant 2 : i32
      %swap3A_92 = arith.index_cast %swap3A_91 : i32 to index
      %swap3A_93 = arith.index_cast %scan3A_71 : i32 to index
      %swap3A_94 = arith.constant 32 : index
      %swap3A_95 = tpu.vector_load %arg13[%swap3A_92, %swap3A_93, %swap3A_94] {strides = array<i32>} : memref<4x64x64xf32, #tpu.memory_space<vmem>>, vector<16xf32>,
      tpu.vector_store %arg13[%swap3A_92, %swap3A_93, %swap3A_94], %broadcast_in_dim3A_3 {strides = array<i32>} : memref<4x64x64xf32, #tpu.memory_space<vmem>>, vector<16xf32>,
      %swap3A_96 = arith.constant 2 : i32
      %swap3A_97 = arith.index_cast %swap3A_96 : i32 to index
      %swap3A_98 = arith.index_cast %scan3A_71 : i32 to index
      %swap3A_99 = arith.constant 32 : index
      %swap3A_100 = tpu.vector_load %arg14[%swap3A_97, %swap3A_98, %swap3A_99] {strides = array<i32>} : memref<4x64x64xf32, #tpu.memory_space<vmem>>, vector<16xf32>,
      tpu.vector_store %arg14[%swap3A_97, %swap3A_98, %swap3A_99], %broadcast_in_dim3A_3 {strides = array<i32>} : memref<4x64x64xf32, #tpu.memory_space<vmem>>, vector<16xf32>,
      %swap3A_101 = arith.constant 2 : i32
      %swap3A_102 = arith.index_cast %swap3A_101 : i32 to index
      %swap3A_103 = arith.index_cast %scan3A_71 : i32 to index
      %swap3A_104 = arith.constant 48 : index
      %swap3A_105 = tpu.vector_load %arg13[%swap3A_102, %swap3A_103, %swap3A_104] {strides = array<i32>} : memref<4x64x64xf32, #tpu.memory_space<vmem>>, vector<16xf32>,
      tpu.vector_store %arg13[%swap3A_102, %swap3A_103, %swap3A_104], %broadcast_in_dim3A_3 {strides = array<i32>} : memref<4x64x64xf32, #tpu.memory_space<vmem>>, vector<16xf32>,
      %swap3A_106 = arith.constant 2 : i32
      %swap3A_107 = arith.index_cast %swap3A_106 : i32 to index
      %swap3A_108 = arith.index_cast %scan3A_71 : i32 to index
      %swap3A_109 = arith.constant 48 : index
      %swap3A_110 = tpu.vector_load %arg14[%swap3A_107, %swap3A_108, %swap3A_109] {strides = array<i32>} : memref<4x64x64xf32, #tpu.memory_space<vmem>>, vector<16xf32>,
      tpu.vector_store %arg14[%swap3A_107, %swap3A_108, %swap3A_109], %broadcast_in_dim3A_3 {strides = array<i32>} : memref<4x64x64xf32, #tpu.memory_space<vmem>>, vector<16xf32>,
    }
    %scan3A_20 = arith.constant 64 : i32
    %scan3A_21 = arith.constant 0 : i32
    %scan3A_22 = arith.constant 0 : i32
    %scan3A_23 = arith.constant 64 : i32
    %scan3A_24 = arith.addi %scan3A_22, %scan3A_23 : i32
    %scan3A_25 = arith.constant 1 : i32
    scf.for %scan3A_71 = %scan3A_22 to %scan3A_24 step %scan3A_25  : i32 {
      %swap3A = arith.constant 3 : i32
      %swap3A_72 = arith.index_cast %swap3A : i32 to index
      %swap3A_73 = arith.index_cast %scan3A_71 : i32 to index
      %swap3A_74 = arith.constant 0 : index
      %swap3A_75 = tpu.vector_load %arg13[%swap3A_72, %swap3A_73, %swap3A_74] {strides = array<i32>} : memref<4x64x64xf32, #tpu.memory_space<vmem>>, vector<16xf32>,
      tpu.vector_store %arg13[%swap3A_72, %swap3A_73, %swap3A_74], %broadcast_in_dim3A_3 {strides = array<i32>} : memref<4x64x64xf32, #tpu.memory_space<vmem>>, vector<16xf32>,
      %swap3A_76 = arith.constant 3 : i32
      %swap3A_77 = arith.index_cast %swap3A_76 : i32 to index
      %swap3A_78 = arith.index_cast %scan3A_71 : i32 to index
      %swap3A_79 = arith.constant 0 : index
      %swap3A_80 = tpu.vector_load %arg14[%swap3A_77, %swap3A_78, %swap3A_79] {strides = array<i32>} : memref<4x64x64xf32, #tpu.memory_space<vmem>>, vector<16xf32>,
      tpu.vector_store %arg14[%swap3A_77, %swap3A_78, %swap3A_79], %broadcast_in_dim3A_3 {strides = array<i32>} : memref<4x64x64xf32, #tpu.memory_space<vmem>>, vector<16xf32>,
      %swap3A_81 = arith.constant 3 : i32
      %swap3A_82 = arith.index_cast %swap3A_81 : i32 to index
      %swap3A_83 = arith.index_cast %scan3A_71 : i32 to index
      %swap3A_84 = arith.constant 16 : index
      %swap3A_85 = tpu.vector_load %arg13[%swap3A_82, %swap3A_83, %swap3A_84] {strides = array<i32>} : memref<4x64x64xf32, #tpu.memory_space<vmem>>, vector<16xf32>,
      tpu.vector_store %arg13[%swap3A_82, %swap3A_83, %swap3A_84], %broadcast_in_dim3A_3 {strides = array<i32>} : memref<4x64x64xf32, #tpu.memory_space<vmem>>, vector<16xf32>,
      %swap3A_86 = arith.constant 3 : i32
      %swap3A_87 = arith.index_cast %swap3A_86 : i32 to index
      %swap3A_88 = arith.index_cast %scan3A_71 : i32 to index
      %swap3A_89 = arith.constant 16 : index
      %swap3A_90 = tpu.vector_load %arg14[%swap3A_87, %swap3A_88, %swap3A_89] {strides = array<i32>} : memref<4x64x64xf32, #tpu.memory_space<vmem>>, vector<16xf32>,
      tpu.vector_store %arg14[%swap3A_87, %swap3A_88, %swap3A_89], %broadcast_in_dim3A_3 {strides = array<i32>} : memref<4x64x64xf32, #tpu.memory_space<vmem>>, vector<16xf32>,
      %swap3A_91 = arith.constant 3 : i32
      %swap3A_92 = arith.index_cast %swap3A_91 : i32 to index
      %swap3A_93 = arith.index_cast %scan3A_71 : i32 to index
      %swap3A_94 = arith.constant 32 : index
      %swap3A_95 = tpu.vector_load %arg13[%swap3A_92, %swap3A_93, %swap3A_94] {strides = array<i32>} : memref<4x64x64xf32, #tpu.memory_space<vmem>>, vector<16xf32>,
      tpu.vector_store %arg13[%swap3A_92, %swap3A_93, %swap3A_94], %broadcast_in_dim3A_3 {strides = array<i32>} : memref<4x64x64xf32, #tpu.memory_space<vmem>>, vector<16xf32>,
      %swap3A_96 = arith.constant 3 : i32
      %swap3A_97 = arith.index_cast %swap3A_96 : i32 to index
      %swap3A_98 = arith.index_cast %scan3A_71 : i32 to index
      %swap3A_99 = arith.constant 32 : index
      %swap3A_100 = tpu.vector_load %arg14[%swap3A_97, %swap3A_98, %swap3A_99] {strides = array<i32>} : memref<4x64x64xf32, #tpu.memory_space<vmem>>, vector<16xf32>,
      tpu.vector_store %arg14[%swap3A_97, %swap3A_98, %swap3A_99], %broadcast_in_dim3A_3 {strides = array<i32>} : memref<4x64x64xf32, #tpu.memory_space<vmem>>, vector<16xf32>,
      %swap3A_101 = arith.constant 3 : i32
      %swap3A_102 = arith.index_cast %swap3A_101 : i32 to index
      %swap3A_103 = arith.index_cast %scan3A_71 : i32 to index
      %swap3A_104 = arith.constant 48 : index
      %swap3A_105 = tpu.vector_load %arg13[%swap3A_102, %swap3A_103, %swap3A_104] {strides = array<i32>} : memref<4x64x64xf32, #tpu.memory_space<vmem>>, vector<16xf32>,
      tpu.vector_store %arg13[%swap3A_102, %swap3A_103, %swap3A_104], %broadcast_in_dim3A_3 {strides = array<i32>} : memref<4x64x64xf32, #tpu.memory_space<vmem>>, vector<16xf32>,
      %swap3A_106 = arith.constant 3 : i32
      %swap3A_107 = arith.index_cast %swap3A_106 : i32 to index
      %swap3A_108 = arith.index_cast %scan3A_71 : i32 to index
      %swap3A_109 = arith.constant 48 : index
      %swap3A_110 = tpu.vector_load %arg14[%swap3A_107, %swap3A_108, %swap3A_109] {strides = array<i32>} : memref<4x64x64xf32, #tpu.memory_space<vmem>>, vector<16xf32>,
      tpu.vector_store %arg14[%swap3A_107, %swap3A_108, %swap3A_109], %broadcast_in_dim3A_3 {strides = array<i32>} : memref<4x64x64xf32, #tpu.memory_space<vmem>>, vector<16xf32>,
    }
    %scan3A_26 = arith.constant 64 : i32
    %add3A_27 = arith.constant 0 : i32
    %add3A_28 = arith.addi %mul3A_2, %add3A_27 : i32
    %dma_start3A = arith.constant 0 : i32
    %dma_start3A_29 = tpu.memref_slice %arg2[%add3A_28, %dma_start3A] : memref<16384x2144xf32, #tpu.memory_space<hbm>> -> memref<4x2144xf32, #tpu.memory_space<hbm>>
    %dma_start3A_30 = arith.constant 0 : i32
    %dma_start3A_31 = tpu.memref_slice %arg2[%add3A_28, %dma_start3A_30] : memref<16384x2144xf32, #tpu.memory_space<hbm>> -> memref<4x2144xf32, #tpu.memory_space<hbm>>
    tpu.enqueue_dma source(%dma_start3A_31 : memref<4x2144xf32, #tpu.memory_space<hbm>>) target(%arg7 : memref<4x2144xf32, #tpu.memory_space<vmem>>) target_semaphore(%arg15 : memref<!tpu.dma_semaphore, #tpu.memory_space<semaphore_mem>>)
    %add3A_32 = arith.constant 4 : i32
    %add3A_33 = arith.addi %mul3A_2, %add3A_32 : i32
    %dma_start3A_34 = arith.constant 0 : i32
    %dma_start3A_35 = tpu.memref_slice %arg2[%add3A_33, %dma_start3A_34] : memref<16384x2144xf32, #tpu.memory_space<hbm>> -> memref<4x2144xf32, #tpu.memory_space<hbm>>
    %dma_start3A_36 = arith.constant 0 : i32
    %dma_start3A_37 = tpu.memref_slice %arg2[%add3A_33, %dma_start3A_36] : memref<16384x2144xf32, #tpu.memory_space<hbm>> -> memref<4x2144xf32, #tpu.memory_space<hbm>>
    tpu.enqueue_dma source(%dma_start3A_37 : memref<4x2144xf32, #tpu.memory_space<hbm>>) target(%arg8 : memref<4x2144xf32, #tpu.memory_space<vmem>>) target_semaphore(%arg16 : memref<!tpu.dma_semaphore, #tpu.memory_space<semaphore_mem>>)
    %scan3A_38 = arith.constant 0 : i32
    %scan3A_39 = arith.constant 0 : i32
    %scan3A_40 = arith.constant 64 : i32
    %scan3A_41 = arith.addi %scan3A_39, %scan3A_40 : i32
    %scan3A_42 = arith.constant 1 : i32
    scf.for %scan3A_71 = %scan3A_39 to %scan3A_41 step %scan3A_42  : i32 {
      %mul3A_72 = arith.constant 2 : i32
      %mul3A_73 = arith.muli %scan3A_71, %mul3A_72 : i32
      %add3A_74 = arith.constant 0 : i32
      %add3A_75 = arith.addi %mul3A_73, %add3A_74 : i32
      %mul3A_76 = arith.constant 4 : i32
      %mul3A_77 = arith.muli %add3A_75, %mul3A_76 : i32
      %add3A_78 = arith.addi %mul3A_2, %mul3A_77 : i32
      %dma_wait3A_79 = arith.constant 0 : i32
      %dma_wait3A_80 = tpu.memref_slice %arg2[%add3A_78, %dma_wait3A_79] : memref<16384x2144xf32, #tpu.memory_space<hbm>> -> memref<4x2144xf32, #tpu.memory_space<hbm>>
      %dma_wait3A_81 = arith.constant 0 : i32
      %dma_wait3A_82 = tpu.memref_slice %arg2[%add3A_78, %dma_wait3A_81] : memref<16384x2144xf32, #tpu.memory_space<hbm>> -> memref<4x2144xf32, #tpu.memory_space<hbm>>
      tpu.wait_dma2 semaphore(%arg15 : memref<!tpu.dma_semaphore, #tpu.memory_space<semaphore_mem>>) src(%dma_wait3A_82 : memref<4x2144xf32, #tpu.memory_space<hbm>>) dst(%arg7 : memref<4x2144xf32, #tpu.memory_space<vmem>>)
      %ge3A = arith.constant 2 : i32
      %ge3A_83 = arith.cmpi sge, %add3A_75, %ge3A : i32
      %convert_element_type3A = arith.extui %ge3A_83 : i1 to i32
      %cond3A = arith.constant 0 : i32
      %cond3A_84 = arith.cmpi ne, %convert_element_type3A, %cond3A : i32
      scf.if %cond3A_84 {
        %sub3A = arith.constant 2 : i32
        %sub3A_412 = arith.subi %add3A_75, %sub3A : i32
        %mul3A_413 = arith.constant 4 : i32
        %mul3A_414 = arith.muli %sub3A_412, %mul3A_413 : i32
        %add3A_415 = arith.addi %mul3A_2, %mul3A_414 : i32
        %dma_wait3A_416 = arith.constant 0 : i32
        %dma_wait3A_417 = arith.constant 0 : i32
        %dma_wait3A_418 = tpu.memref_slice %arg6[%add3A_415, %dma_wait3A_416, %dma_wait3A_417] : memref<16384x64x64xf32, #tpu.memory_space<hbm>> -> memref<4x64x64xf32, #tpu.memory_space<hbm>>
        %dma_wait3A_419 = arith.constant 0 : i32
        %dma_wait3A_420 = arith.constant 0 : i32
        %dma_wait3A_421 = tpu.memref_slice %arg6[%add3A_415, %dma_wait3A_419, %dma_wait3A_420] : memref<16384x64x64xf32, #tpu.memory_space<hbm>> -> memref<4x64x64xf32, #tpu.memory_space<hbm>>
        tpu.wait_dma2 semaphore(%arg17 : memref<!tpu.dma_semaphore, #tpu.memory_space<semaphore_mem>>) src(%arg13 : memref<4x64x64xf32, #tpu.memory_space<vmem>>) dst(%dma_wait3A_421 : memref<4x64x64xf32, #tpu.memory_space<hbm>>)
        %sub3A_422 = arith.constant 2 : i32
        %sub3A_423 = arith.subi %add3A_75, %sub3A_422 : i32
        %mul3A_424 = arith.constant 4 : i32
        %mul3A_425 = arith.muli %sub3A_423, %mul3A_424 : i32
        %add3A_426 = arith.addi %mul3A_2, %mul3A_425 : i32
        %dma_wait3A_427 = arith.constant 0 : i32
        %dma_wait3A_428 = tpu.memref_slice %arg5[%add3A_426, %dma_wait3A_427] : memref<16384x64xf32, #tpu.memory_space<hbm>> -> memref<4x64xf32, #tpu.memory_space<hbm>>
        %dma_wait3A_429 = arith.constant 0 : i32
        %dma_wait3A_430 = tpu.memref_slice %arg5[%add3A_426, %dma_wait3A_429] : memref<16384x64xf32, #tpu.memory_space<hbm>> -> memref<4x64xf32, #tpu.memory_space<hbm>>
        tpu.wait_dma2 semaphore(%arg19 : memref<!tpu.dma_semaphore, #tpu.memory_space<semaphore_mem>>) src(%arg11 : memref<4x64xf32, #tpu.memory_space<vmem>>) dst(%dma_wait3A_430 : memref<4x64xf32, #tpu.memory_space<hbm>>)
      } else {
      }
      %scan3A_85 = arith.constant 0 : i32
      %scan3A_86 = arith.constant 0 : i32
      %scan3A_87 = arith.constant 130 : i32
      %scan3A_88 = arith.addi %scan3A_86, %scan3A_87 : i32
      %scan3A_89 = arith.constant 1 : i32
      scf.for %scan3A_412 = %scan3A_86 to %scan3A_88 step %scan3A_89  : i32 {
        %mul3A_413 = arith.constant 16 : i32
        %mul3A_414 = arith.muli %scan3A_412, %mul3A_413 : i32
        %get3A_415 = arith.index_cast %mul3A_414 : i32 to index
        %get3A_416 = tpu.vector_load %arg9[%get3A_415] {strides = array<i32>} : memref<2080xi32, #tpu.memory_space<vmem>>, vector<16xi32>,
        %mul3A_417 = arith.constant 16 : i32
        %mul3A_418 = arith.muli %scan3A_412, %mul3A_417 : i32
        %get3A_419 = arith.index_cast %mul3A_418 : i32 to index
        %get3A_420 = tpu.vector_load %arg10[%get3A_419] {strides = array<i32>} : memref<2080xi32, #tpu.memory_space<vmem>>, vector<16xi32>,
        %eq3A = arith.cmpi eq, %get3A_416, %get3A_420 : vector<16xi32>
        %mul3A_421 = arith.constant 16 : i32
        %mul3A_422 = arith.muli %scan3A_412, %mul3A_421 : i32
        %add3A_423 = arith.constant 64 : i32
        %add3A_424 = arith.addi %add3A_423, %mul3A_422 : i32
        %get3A_425 = arith.constant 0 : i32
        %get3A_426 = arith.index_cast %get3A_425 : i32 to index
        %get3A_427 = arith.index_cast %add3A_424 : i32 to index
        %get3A_428 = tpu.vector_load %arg7[%get3A_426, %get3A_427] {strides = array<i32>} : memref<4x2144xf32, #tpu.memory_space<vmem>>, vector<16xf32>,
        %exp3A = math.exp %get3A_428 : vector<16xf32>
        %select_n3A = arith.select %eq3A, %exp3A, %get3A_428 : vector<16xi1>, vector<16xf32>
        %broadcast_in_dim3A_429 = arith.constant 0 : i32
        %broadcast_in_dim3A_430 = vector.broadcast %broadcast_in_dim3A_429 : i32 to vector<16xi32>
        tpu.vector_store_idx %arg13[%broadcast_in_dim3A_430, %get3A_416, %get3A_420], %select_n3A : memref<4x64x64xf32, #tpu.memory_space<vmem>>[vector<16xi32>, vector<16xi32>, vector<16xi32>], vector<16xf32>,
        %mul3A_431 = arith.constant 16 : i32
        %mul3A_432 = arith.muli %scan3A_412, %mul3A_431 : i32
        %add3A_433 = arith.constant 64 : i32
        %add3A_434 = arith.addi %add3A_433, %mul3A_432 : i32
        %get3A_435 = arith.constant 1 : i32
        %get3A_436 = arith.index_cast %get3A_435 : i32 to index
        %get3A_437 = arith.index_cast %add3A_434 : i32 to index
        %get3A_438 = tpu.vector_load %arg7[%get3A_436, %get3A_437] {strides = array<i32>} : memref<4x2144xf32, #tpu.memory_space<vmem>>, vector<16xf32>,
        %exp3A_439 = math.exp %get3A_438 : vector<16xf32>
        %select_n3A_440 = arith.select %eq3A, %exp3A_439, %get3A_438 : vector<16xi1>, vector<16xf32>
        %broadcast_in_dim3A_441 = arith.constant 1 : i32
        %broadcast_in_dim3A_442 = vector.broadcast %broadcast_in_dim3A_441 : i32 to vector<16xi32>
        tpu.vector_store_idx %arg13[%broadcast_in_dim3A_442, %get3A_416, %get3A_420], %select_n3A_440 : memref<4x64x64xf32, #tpu.memory_space<vmem>>[vector<16xi32>, vector<16xi32>, vector<16xi32>], vector<16xf32>,
        %mul3A_443 = arith.constant 16 : i32
        %mul3A_444 = arith.muli %scan3A_412, %mul3A_443 : i32
        %add3A_445 = arith.constant 64 : i32
        %add3A_446 = arith.addi %add3A_445, %mul3A_444 : i32
        %get3A_447 = arith.constant 2 : i32
        %get3A_448 = arith.index_cast %get3A_447 : i32 to index
        %get3A_449 = arith.index_cast %add3A_446 : i32 to index
        %get3A_450 = tpu.vector_load %arg7[%get3A_448, %get3A_449] {strides = array<i32>} : memref<4x2144xf32, #tpu.memory_space<vmem>>, vector<16xf32>,
        %exp3A_451 = math.exp %get3A_450 : vector<16xf32>
        %select_n3A_452 = arith.select %eq3A, %exp3A_451, %get3A_450 : vector<16xi1>, vector<16xf32>
        %broadcast_in_dim3A_453 = arith.constant 2 : i32
        %broadcast_in_dim3A_454 = vector.broadcast %broadcast_in_dim3A_453 : i32 to vector<16xi32>
        tpu.vector_store_idx %arg13[%broadcast_in_dim3A_454, %get3A_416, %get3A_420], %select_n3A_452 : memref<4x64x64xf32, #tpu.memory_space<vmem>>[vector<16xi32>, vector<16xi32>, vector<16xi32>], vector<16xf32>,
        %mul3A_455 = arith.constant 16 : i32
        %mul3A_456 = arith.muli %scan3A_412, %mul3A_455 : i32
        %add3A_457 = arith.constant 64 : i32
        %add3A_458 = arith.addi %add3A_457, %mul3A_456 : i32
        %get3A_459 = arith.constant 3 : i32
        %get3A_460 = arith.index_cast %get3A_459 : i32 to index
        %get3A_461 = arith.index_cast %add3A_458 : i32 to index
        %get3A_462 = tpu.vector_load %arg7[%get3A_460, %get3A_461] {strides = array<i32>} : memref<4x2144xf32, #tpu.memory_space<vmem>>, vector<16xf32>,
        %exp3A_463 = math.exp %get3A_462 : vector<16xf32>
        %select_n3A_464 = arith.select %eq3A, %exp3A_463, %get3A_462 : vector<16xi1>, vector<16xf32>
        %broadcast_in_dim3A_465 = arith.constant 3 : i32
        %broadcast_in_dim3A_466 = vector.broadcast %broadcast_in_dim3A_465 : i32 to vector<16xi32>
        tpu.vector_store_idx %arg13[%broadcast_in_dim3A_466, %get3A_416, %get3A_420], %select_n3A_464 : memref<4x64x64xf32, #tpu.memory_space<vmem>>[vector<16xi32>, vector<16xi32>, vector<16xi32>], vector<16xf32>,
      }
      %scan3A_90 = arith.constant 130 : i32
      %get3A = arith.constant 0 : i32
      %get3A_91 = arith.index_cast %get3A : i32 to index
      %get3A_92 = arith.constant 0 : index
      %get3A_93 = tpu.vector_load %arg7[%get3A_91, %get3A_92] {strides = array<i32>} : memref<4x2144xf32, #tpu.memory_space<vmem>>, vector<16xf32>,
      %swap3A = arith.constant 0 : i32
      %swap3A_94 = arith.index_cast %swap3A : i32 to index
      %swap3A_95 = arith.constant 0 : index
      %swap3A_96 = tpu.vector_load %arg11[%swap3A_94, %swap3A_95] {strides = array<i32>} : memref<4x64xf32, #tpu.memory_space<vmem>>, vector<16xf32>,
      tpu.vector_store %arg11[%swap3A_94, %swap3A_95], %get3A_93 {strides = array<i32>} : memref<4x64xf32, #tpu.memory_space<vmem>>, vector<16xf32>,
      %get3A_97 = arith.constant 0 : i32
      %get3A_98 = arith.index_cast %get3A_97 : i32 to index
      %get3A_99 = arith.constant 16 : index
      %get3A_100 = tpu.vector_load %arg7[%get3A_98, %get3A_99] {strides = array<i32>} : memref<4x2144xf32, #tpu.memory_space<vmem>>, vector<16xf32>,
      %swap3A_101 = arith.constant 0 : i32
      %swap3A_102 = arith.index_cast %swap3A_101 : i32 to index
      %swap3A_103 = arith.constant 16 : index
      %swap3A_104 = tpu.vector_load %arg11[%swap3A_102, %swap3A_103] {strides = array<i32>} : memref<4x64xf32, #tpu.memory_space<vmem>>, vector<16xf32>,
      tpu.vector_store %arg11[%swap3A_102, %swap3A_103], %get3A_100 {strides = array<i32>} : memref<4x64xf32, #tpu.memory_space<vmem>>, vector<16xf32>,
      %get3A_105 = arith.constant 0 : i32
      %get3A_106 = arith.index_cast %get3A_105 : i32 to index
      %get3A_107 = arith.constant 32 : index
      %get3A_108 = tpu.vector_load %arg7[%get3A_106, %get3A_107] {strides = array<i32>} : memref<4x2144xf32, #tpu.memory_space<vmem>>, vector<16xf32>,
      %swap3A_109 = arith.constant 0 : i32
      %swap3A_110 = arith.index_cast %swap3A_109 : i32 to index
      %swap3A_111 = arith.constant 32 : index
      %swap3A_112 = tpu.vector_load %arg11[%swap3A_110, %swap3A_111] {strides = array<i32>} : memref<4x64xf32, #tpu.memory_space<vmem>>, vector<16xf32>,
      tpu.vector_store %arg11[%swap3A_110, %swap3A_111], %get3A_108 {strides = array<i32>} : memref<4x64xf32, #tpu.memory_space<vmem>>, vector<16xf32>,
      %get3A_113 = arith.constant 0 : i32
      %get3A_114 = arith.index_cast %get3A_113 : i32 to index
      %get3A_115 = arith.constant 48 : index
      %get3A_116 = tpu.vector_load %arg7[%get3A_114, %get3A_115] {strides = array<i32>} : memref<4x2144xf32, #tpu.memory_space<vmem>>, vector<16xf32>,
      %swap3A_117 = arith.constant 0 : i32
      %swap3A_118 = arith.index_cast %swap3A_117 : i32 to index
      %swap3A_119 = arith.constant 48 : index
      %swap3A_120 = tpu.vector_load %arg11[%swap3A_118, %swap3A_119] {strides = array<i32>} : memref<4x64xf32, #tpu.memory_space<vmem>>, vector<16xf32>,
      tpu.vector_store %arg11[%swap3A_118, %swap3A_119], %get3A_116 {strides = array<i32>} : memref<4x64xf32, #tpu.memory_space<vmem>>, vector<16xf32>,
      %get3A_121 = arith.constant 1 : i32
      %get3A_122 = arith.index_cast %get3A_121 : i32 to index
      %get3A_123 = arith.constant 0 : index
      %get3A_124 = tpu.vector_load %arg7[%get3A_122, %get3A_123] {strides = array<i32>} : memref<4x2144xf32, #tpu.memory_space<vmem>>, vector<16xf32>,
      %swap3A_125 = arith.constant 1 : i32
      %swap3A_126 = arith.index_cast %swap3A_125 : i32 to index
      %swap3A_127 = arith.constant 0 : index
      %swap3A_128 = tpu.vector_load %arg11[%swap3A_126, %swap3A_127] {strides = array<i32>} : memref<4x64xf32, #tpu.memory_space<vmem>>, vector<16xf32>,
      tpu.vector_store %arg11[%swap3A_126, %swap3A_127], %get3A_124 {strides = array<i32>} : memref<4x64xf32, #tpu.memory_space<vmem>>, vector<16xf32>,
      %get3A_129 = arith.constant 1 : i32
      %get3A_130 = arith.index_cast %get3A_129 : i32 to index
      %get3A_131 = arith.constant 16 : index
      %get3A_132 = tpu.vector_load %arg7[%get3A_130, %get3A_131] {strides = array<i32>} : memref<4x2144xf32, #tpu.memory_space<vmem>>, vector<16xf32>,
      %swap3A_133 = arith.constant 1 : i32
      %swap3A_134 = arith.index_cast %swap3A_133 : i32 to index
      %swap3A_135 = arith.constant 16 : index
      %swap3A_136 = tpu.vector_load %arg11[%swap3A_134, %swap3A_135] {strides = array<i32>} : memref<4x64xf32, #tpu.memory_space<vmem>>, vector<16xf32>,
      tpu.vector_store %arg11[%swap3A_134, %swap3A_135], %get3A_132 {strides = array<i32>} : memref<4x64xf32, #tpu.memory_space<vmem>>, vector<16xf32>,
      %get3A_137 = arith.constant 1 : i32
      %get3A_138 = arith.index_cast %get3A_137 : i32 to index
      %get3A_139 = arith.constant 32 : index
      %get3A_140 = tpu.vector_load %arg7[%get3A_138, %get3A_139] {strides = array<i32>} : memref<4x2144xf32, #tpu.memory_space<vmem>>, vector<16xf32>,
      %swap3A_141 = arith.constant 1 : i32
      %swap3A_142 = arith.index_cast %swap3A_141 : i32 to index
      %swap3A_143 = arith.constant 32 : index
      %swap3A_144 = tpu.vector_load %arg11[%swap3A_142, %swap3A_143] {strides = array<i32>} : memref<4x64xf32, #tpu.memory_space<vmem>>, vector<16xf32>,
      tpu.vector_store %arg11[%swap3A_142, %swap3A_143], %get3A_140 {strides = array<i32>} : memref<4x64xf32, #tpu.memory_space<vmem>>, vector<16xf32>,
      %get3A_145 = arith.constant 1 : i32
      %get3A_146 = arith.index_cast %get3A_145 : i32 to index
      %get3A_147 = arith.constant 48 : index
      %get3A_148 = tpu.vector_load %arg7[%get3A_146, %get3A_147] {strides = array<i32>} : memref<4x2144xf32, #tpu.memory_space<vmem>>, vector<16xf32>,
      %swap3A_149 = arith.constant 1 : i32
      %swap3A_150 = arith.index_cast %swap3A_149 : i32 to index
      %swap3A_151 = arith.constant 48 : index
      %swap3A_152 = tpu.vector_load %arg11[%swap3A_150, %swap3A_151] {strides = array<i32>} : memref<4x64xf32, #tpu.memory_space<vmem>>, vector<16xf32>,
      tpu.vector_store %arg11[%swap3A_150, %swap3A_151], %get3A_148 {strides = array<i32>} : memref<4x64xf32, #tpu.memory_space<vmem>>, vector<16xf32>,
      %get3A_153 = arith.constant 2 : i32
      %get3A_154 = arith.index_cast %get3A_153 : i32 to index
      %get3A_155 = arith.constant 0 : index
      %get3A_156 = tpu.vector_load %arg7[%get3A_154, %get3A_155] {strides = array<i32>} : memref<4x2144xf32, #tpu.memory_space<vmem>>, vector<16xf32>,
      %swap3A_157 = arith.constant 2 : i32
      %swap3A_158 = arith.index_cast %swap3A_157 : i32 to index
      %swap3A_159 = arith.constant 0 : index
      %swap3A_160 = tpu.vector_load %arg11[%swap3A_158, %swap3A_159] {strides = array<i32>} : memref<4x64xf32, #tpu.memory_space<vmem>>, vector<16xf32>,
      tpu.vector_store %arg11[%swap3A_158, %swap3A_159], %get3A_156 {strides = array<i32>} : memref<4x64xf32, #tpu.memory_space<vmem>>, vector<16xf32>,
      %get3A_161 = arith.constant 2 : i32
      %get3A_162 = arith.index_cast %get3A_161 : i32 to index
      %get3A_163 = arith.constant 16 : index
      %get3A_164 = tpu.vector_load %arg7[%get3A_162, %get3A_163] {strides = array<i32>} : memref<4x2144xf32, #tpu.memory_space<vmem>>, vector<16xf32>,
      %swap3A_165 = arith.constant 2 : i32
      %swap3A_166 = arith.index_cast %swap3A_165 : i32 to index
      %swap3A_167 = arith.constant 16 : index
      %swap3A_168 = tpu.vector_load %arg11[%swap3A_166, %swap3A_167] {strides = array<i32>} : memref<4x64xf32, #tpu.memory_space<vmem>>, vector<16xf32>,
      tpu.vector_store %arg11[%swap3A_166, %swap3A_167], %get3A_164 {strides = array<i32>} : memref<4x64xf32, #tpu.memory_space<vmem>>, vector<16xf32>,
      %get3A_169 = arith.constant 2 : i32
      %get3A_170 = arith.index_cast %get3A_169 : i32 to index
      %get3A_171 = arith.constant 32 : index
      %get3A_172 = tpu.vector_load %arg7[%get3A_170, %get3A_171] {strides = array<i32>} : memref<4x2144xf32, #tpu.memory_space<vmem>>, vector<16xf32>,
      %swap3A_173 = arith.constant 2 : i32
      %swap3A_174 = arith.index_cast %swap3A_173 : i32 to index
      %swap3A_175 = arith.constant 32 : index
      %swap3A_176 = tpu.vector_load %arg11[%swap3A_174, %swap3A_175] {strides = array<i32>} : memref<4x64xf32, #tpu.memory_space<vmem>>, vector<16xf32>,
      tpu.vector_store %arg11[%swap3A_174, %swap3A_175], %get3A_172 {strides = array<i32>} : memref<4x64xf32, #tpu.memory_space<vmem>>, vector<16xf32>,
      %get3A_177 = arith.constant 2 : i32
      %get3A_178 = arith.index_cast %get3A_177 : i32 to index
      %get3A_179 = arith.constant 48 : index
      %get3A_180 = tpu.vector_load %arg7[%get3A_178, %get3A_179] {strides = array<i32>} : memref<4x2144xf32, #tpu.memory_space<vmem>>, vector<16xf32>,
      %swap3A_181 = arith.constant 2 : i32
      %swap3A_182 = arith.index_cast %swap3A_181 : i32 to index
      %swap3A_183 = arith.constant 48 : index
      %swap3A_184 = tpu.vector_load %arg11[%swap3A_182, %swap3A_183] {strides = array<i32>} : memref<4x64xf32, #tpu.memory_space<vmem>>, vector<16xf32>,
      tpu.vector_store %arg11[%swap3A_182, %swap3A_183], %get3A_180 {strides = array<i32>} : memref<4x64xf32, #tpu.memory_space<vmem>>, vector<16xf32>,
      %get3A_185 = arith.constant 3 : i32
      %get3A_186 = arith.index_cast %get3A_185 : i32 to index
      %get3A_187 = arith.constant 0 : index
      %get3A_188 = tpu.vector_load %arg7[%get3A_186, %get3A_187] {strides = array<i32>} : memref<4x2144xf32, #tpu.memory_space<vmem>>, vector<16xf32>,
      %swap3A_189 = arith.constant 3 : i32
      %swap3A_190 = arith.index_cast %swap3A_189 : i32 to index
      %swap3A_191 = arith.constant 0 : index
      %swap3A_192 = tpu.vector_load %arg11[%swap3A_190, %swap3A_191] {strides = array<i32>} : memref<4x64xf32, #tpu.memory_space<vmem>>, vector<16xf32>,
      tpu.vector_store %arg11[%swap3A_190, %swap3A_191], %get3A_188 {strides = array<i32>} : memref<4x64xf32, #tpu.memory_space<vmem>>, vector<16xf32>,
      %get3A_193 = arith.constant 3 : i32
      %get3A_194 = arith.index_cast %get3A_193 : i32 to index
      %get3A_195 = arith.constant 16 : index
      %get3A_196 = tpu.vector_load %arg7[%get3A_194, %get3A_195] {strides = array<i32>} : memref<4x2144xf32, #tpu.memory_space<vmem>>, vector<16xf32>,
      %swap3A_197 = arith.constant 3 : i32
      %swap3A_198 = arith.index_cast %swap3A_197 : i32 to index
      %swap3A_199 = arith.constant 16 : index
      %swap3A_200 = tpu.vector_load %arg11[%swap3A_198, %swap3A_199] {strides = array<i32>} : memref<4x64xf32, #tpu.memory_space<vmem>>, vector<16xf32>,
      tpu.vector_store %arg11[%swap3A_198, %swap3A_199], %get3A_196 {strides = array<i32>} : memref<4x64xf32, #tpu.memory_space<vmem>>, vector<16xf32>,
      %get3A_201 = arith.constant 3 : i32
      %get3A_202 = arith.index_cast %get3A_201 : i32 to index
      %get3A_203 = arith.constant 32 : index
      %get3A_204 = tpu.vector_load %arg7[%get3A_202, %get3A_203] {strides = array<i32>} : memref<4x2144xf32, #tpu.memory_space<vmem>>, vector<16xf32>,
      %swap3A_205 = arith.constant 3 : i32
      %swap3A_206 = arith.index_cast %swap3A_205 : i32 to index
      %swap3A_207 = arith.constant 32 : index
      %swap3A_208 = tpu.vector_load %arg11[%swap3A_206, %swap3A_207] {strides = array<i32>} : memref<4x64xf32, #tpu.memory_space<vmem>>, vector<16xf32>,
      tpu.vector_store %arg11[%swap3A_206, %swap3A_207], %get3A_204 {strides = array<i32>} : memref<4x64xf32, #tpu.memory_space<vmem>>, vector<16xf32>,
      %get3A_209 = arith.constant 3 : i32
      %get3A_210 = arith.index_cast %get3A_209 : i32 to index
      %get3A_211 = arith.constant 48 : index
      %get3A_212 = tpu.vector_load %arg7[%get3A_210, %get3A_211] {strides = array<i32>} : memref<4x2144xf32, #tpu.memory_space<vmem>>, vector<16xf32>,
      %swap3A_213 = arith.constant 3 : i32
      %swap3A_214 = arith.index_cast %swap3A_213 : i32 to index
      %swap3A_215 = arith.constant 48 : index
      %swap3A_216 = tpu.vector_load %arg11[%swap3A_214, %swap3A_215] {strides = array<i32>} : memref<4x64xf32, #tpu.memory_space<vmem>>, vector<16xf32>,
      tpu.vector_store %arg11[%swap3A_214, %swap3A_215], %get3A_212 {strides = array<i32>} : memref<4x64xf32, #tpu.memory_space<vmem>>, vector<16xf32>,
      %mul3A_217 = arith.constant 4 : i32
      %mul3A_218 = arith.muli %add3A_75, %mul3A_217 : i32
      %add3A_219 = arith.addi %mul3A_2, %mul3A_218 : i32
      %dma_start3A_220 = arith.constant 0 : i32
      %dma_start3A_221 = arith.constant 0 : i32
      %dma_start3A_222 = tpu.memref_slice %arg6[%add3A_219, %dma_start3A_220, %dma_start3A_221] : memref<16384x64x64xf32, #tpu.memory_space<hbm>> -> memref<4x64x64xf32, #tpu.memory_space<hbm>>
      %dma_start3A_223 = arith.constant 0 : i32
      %dma_start3A_224 = arith.constant 0 : i32
      %dma_start3A_225 = tpu.memref_slice %arg6[%add3A_219, %dma_start3A_223, %dma_start3A_224] : memref<16384x64x64xf32, #tpu.memory_space<hbm>> -> memref<4x64x64xf32, #tpu.memory_space<hbm>>
      tpu.enqueue_dma source(%arg13 : memref<4x64x64xf32, #tpu.memory_space<vmem>>) target(%dma_start3A_225 : memref<4x64x64xf32, #tpu.memory_space<hbm>>) target_semaphore(%arg17 : memref<!tpu.dma_semaphore, #tpu.memory_space<semaphore_mem>>)
      %mul3A_226 = arith.constant 4 : i32
      %mul3A_227 = arith.muli %add3A_75, %mul3A_226 : i32
      %add3A_228 = arith.addi %mul3A_2, %mul3A_227 : i32
      %dma_start3A_229 = arith.constant 0 : i32
      %dma_start3A_230 = tpu.memref_slice %arg5[%add3A_228, %dma_start3A_229] : memref<16384x64xf32, #tpu.memory_space<hbm>> -> memref<4x64xf32, #tpu.memory_space<hbm>>
      %dma_start3A_231 = arith.constant 0 : i32
      %dma_start3A_232 = tpu.memref_slice %arg5[%add3A_228, %dma_start3A_231] : memref<16384x64xf32, #tpu.memory_space<hbm>> -> memref<4x64xf32, #tpu.memory_space<hbm>>
      tpu.enqueue_dma source(%arg11 : memref<4x64xf32, #tpu.memory_space<vmem>>) target(%dma_start3A_232 : memref<4x64xf32, #tpu.memory_space<hbm>>) target_semaphore(%arg19 : memref<!tpu.dma_semaphore, #tpu.memory_space<semaphore_mem>>)
      %add3A_233 = arith.constant 2 : i32
      %add3A_234 = arith.addi %add3A_75, %add3A_233 : i32
      %lt3A = arith.constant 128 : i32
      %lt3A_235 = arith.cmpi slt, %add3A_234, %lt3A : i32
      %convert_element_type3A_236 = arith.extui %lt3A_235 : i1 to i32
      %cond3A_237 = arith.constant 0 : i32
      %cond3A_238 = arith.cmpi ne, %convert_element_type3A_236, %cond3A_237 : i32
      scf.if %cond3A_238 {
        %add3A_412 = arith.constant 2 : i32
        %add3A_413 = arith.addi %add3A_75, %add3A_412 : i32
        %mul3A_414 = arith.constant 4 : i32
        %mul3A_415 = arith.muli %add3A_413, %mul3A_414 : i32
        %add3A_416 = arith.addi %mul3A_2, %mul3A_415 : i32
        %dma_start3A_417 = arith.constant 0 : i32
        %dma_start3A_418 = tpu.memref_slice %arg2[%add3A_416, %dma_start3A_417] : memref<16384x2144xf32, #tpu.memory_space<hbm>> -> memref<4x2144xf32, #tpu.memory_space<hbm>>
        %dma_start3A_419 = arith.constant 0 : i32
        %dma_start3A_420 = tpu.memref_slice %arg2[%add3A_416, %dma_start3A_419] : memref<16384x2144xf32, #tpu.memory_space<hbm>> -> memref<4x2144xf32, #tpu.memory_space<hbm>>
        tpu.enqueue_dma source(%dma_start3A_420 : memref<4x2144xf32, #tpu.memory_space<hbm>>) target(%arg7 : memref<4x2144xf32, #tpu.memory_space<vmem>>) target_semaphore(%arg15 : memref<!tpu.dma_semaphore, #tpu.memory_space<semaphore_mem>>)
      } else {
      }
      %mul3A_239 = arith.constant 2 : i32
      %mul3A_240 = arith.muli %scan3A_71, %mul3A_239 : i32
      %add3A_241 = arith.constant 1 : i32
      %add3A_242 = arith.addi %mul3A_240, %add3A_241 : i32
      %mul3A_243 = arith.constant 4 : i32
      %mul3A_244 = arith.muli %add3A_242, %mul3A_243 : i32
      %add3A_245 = arith.addi %mul3A_2, %mul3A_244 : i32
      %dma_wait3A_246 = arith.constant 0 : i32
      %dma_wait3A_247 = tpu.memref_slice %arg2[%add3A_245, %dma_wait3A_246] : memref<16384x2144xf32, #tpu.memory_space<hbm>> -> memref<4x2144xf32, #tpu.memory_space<hbm>>
      %dma_wait3A_248 = arith.constant 0 : i32
      %dma_wait3A_249 = tpu.memref_slice %arg2[%add3A_245, %dma_wait3A_248] : memref<16384x2144xf32, #tpu.memory_space<hbm>> -> memref<4x2144xf32, #tpu.memory_space<hbm>>
      tpu.wait_dma2 semaphore(%arg16 : memref<!tpu.dma_semaphore, #tpu.memory_space<semaphore_mem>>) src(%dma_wait3A_249 : memref<4x2144xf32, #tpu.memory_space<hbm>>) dst(%arg8 : memref<4x2144xf32, #tpu.memory_space<vmem>>)
      %ge3A_250 = arith.constant 2 : i32
      %ge3A_251 = arith.cmpi sge, %add3A_242, %ge3A_250 : i32
      %convert_element_type3A_252 = arith.extui %ge3A_251 : i1 to i32
      %cond3A_253 = arith.constant 0 : i32
      %cond3A_254 = arith.cmpi ne, %convert_element_type3A_252, %cond3A_253 : i32
      scf.if %cond3A_254 {
        %sub3A = arith.constant 2 : i32
        %sub3A_412 = arith.subi %add3A_242, %sub3A : i32
        %mul3A_413 = arith.constant 4 : i32
        %mul3A_414 = arith.muli %sub3A_412, %mul3A_413 : i32
        %add3A_415 = arith.addi %mul3A_2, %mul3A_414 : i32
        %dma_wait3A_416 = arith.constant 0 : i32
        %dma_wait3A_417 = arith.constant 0 : i32
        %dma_wait3A_418 = tpu.memref_slice %arg6[%add3A_415, %dma_wait3A_416, %dma_wait3A_417] : memref<16384x64x64xf32, #tpu.memory_space<hbm>> -> memref<4x64x64xf32, #tpu.memory_space<hbm>>
        %dma_wait3A_419 = arith.constant 0 : i32
        %dma_wait3A_420 = arith.constant 0 : i32
        %dma_wait3A_421 = tpu.memref_slice %arg6[%add3A_415, %dma_wait3A_419, %dma_wait3A_420] : memref<16384x64x64xf32, #tpu.memory_space<hbm>> -> memref<4x64x64xf32, #tpu.memory_space<hbm>>
        tpu.wait_dma2 semaphore(%arg18 : memref<!tpu.dma_semaphore, #tpu.memory_space<semaphore_mem>>) src(%arg14 : memref<4x64x64xf32, #tpu.memory_space<vmem>>) dst(%dma_wait3A_421 : memref<4x64x64xf32, #tpu.memory_space<hbm>>)
        %sub3A_422 = arith.constant 2 : i32
        %sub3A_423 = arith.subi %add3A_242, %sub3A_422 : i32
        %mul3A_424 = arith.constant 4 : i32
        %mul3A_425 = arith.muli %sub3A_423, %mul3A_424 : i32
        %add3A_426 = arith.addi %mul3A_2, %mul3A_425 : i32
        %dma_wait3A_427 = arith.constant 0 : i32
        %dma_wait3A_428 = tpu.memref_slice %arg5[%add3A_426, %dma_wait3A_427] : memref<16384x64xf32, #tpu.memory_space<hbm>> -> memref<4x64xf32, #tpu.memory_space<hbm>>
        %dma_wait3A_429 = arith.constant 0 : i32
        %dma_wait3A_430 = tpu.memref_slice %arg5[%add3A_426, %dma_wait3A_429] : memref<16384x64xf32, #tpu.memory_space<hbm>> -> memref<4x64xf32, #tpu.memory_space<hbm>>
        tpu.wait_dma2 semaphore(%arg20 : memref<!tpu.dma_semaphore, #tpu.memory_space<semaphore_mem>>) src(%arg12 : memref<4x64xf32, #tpu.memory_space<vmem>>) dst(%dma_wait3A_430 : memref<4x64xf32, #tpu.memory_space<hbm>>)
      } else {
      }
      %scan3A_255 = arith.constant 0 : i32
      %scan3A_256 = arith.constant 0 : i32
      %scan3A_257 = arith.constant 130 : i32
      %scan3A_258 = arith.addi %scan3A_256, %scan3A_257 : i32
      %scan3A_259 = arith.constant 1 : i32
      scf.for %scan3A_412 = %scan3A_256 to %scan3A_258 step %scan3A_259  : i32 {
        %mul3A_413 = arith.constant 16 : i32
        %mul3A_414 = arith.muli %scan3A_412, %mul3A_413 : i32
        %get3A_415 = arith.index_cast %mul3A_414 : i32 to index
        %get3A_416 = tpu.vector_load %arg9[%get3A_415] {strides = array<i32>} : memref<2080xi32, #tpu.memory_space<vmem>>, vector<16xi32>,
        %mul3A_417 = arith.constant 16 : i32
        %mul3A_418 = arith.muli %scan3A_412, %mul3A_417 : i32
        %get3A_419 = arith.index_cast %mul3A_418 : i32 to index
        %get3A_420 = tpu.vector_load %arg10[%get3A_419] {strides = array<i32>} : memref<2080xi32, #tpu.memory_space<vmem>>, vector<16xi32>,
        %eq3A = arith.cmpi eq, %get3A_416, %get3A_420 : vector<16xi32>
        %mul3A_421 = arith.constant 16 : i32
        %mul3A_422 = arith.muli %scan3A_412, %mul3A_421 : i32
        %add3A_423 = arith.constant 64 : i32
        %add3A_424 = arith.addi %add3A_423, %mul3A_422 : i32
        %get3A_425 = arith.constant 0 : i32
        %get3A_426 = arith.index_cast %get3A_425 : i32 to index
        %get3A_427 = arith.index_cast %add3A_424 : i32 to index
        %get3A_428 = tpu.vector_load %arg8[%get3A_426, %get3A_427] {strides = array<i32>} : memref<4x2144xf32, #tpu.memory_space<vmem>>, vector<16xf32>,
        %exp3A = math.exp %get3A_428 : vector<16xf32>
        %select_n3A = arith.select %eq3A, %exp3A, %get3A_428 : vector<16xi1>, vector<16xf32>
        %broadcast_in_dim3A_429 = arith.constant 0 : i32
        %broadcast_in_dim3A_430 = vector.broadcast %broadcast_in_dim3A_429 : i32 to vector<16xi32>
        tpu.vector_store_idx %arg14[%broadcast_in_dim3A_430, %get3A_416, %get3A_420], %select_n3A : memref<4x64x64xf32, #tpu.memory_space<vmem>>[vector<16xi32>, vector<16xi32>, vector<16xi32>], vector<16xf32>,
        %mul3A_431 = arith.constant 16 : i32
        %mul3A_432 = arith.muli %scan3A_412, %mul3A_431 : i32
        %add3A_433 = arith.constant 64 : i32
        %add3A_434 = arith.addi %add3A_433, %mul3A_432 : i32
        %get3A_435 = arith.constant 1 : i32
        %get3A_436 = arith.index_cast %get3A_435 : i32 to index
        %get3A_437 = arith.index_cast %add3A_434 : i32 to index
        %get3A_438 = tpu.vector_load %arg8[%get3A_436, %get3A_437] {strides = array<i32>} : memref<4x2144xf32, #tpu.memory_space<vmem>>, vector<16xf32>,
        %exp3A_439 = math.exp %get3A_438 : vector<16xf32>
        %select_n3A_440 = arith.select %eq3A, %exp3A_439, %get3A_438 : vector<16xi1>, vector<16xf32>
        %broadcast_in_dim3A_441 = arith.constant 1 : i32
        %broadcast_in_dim3A_442 = vector.broadcast %broadcast_in_dim3A_441 : i32 to vector<16xi32>
        tpu.vector_store_idx %arg14[%broadcast_in_dim3A_442, %get3A_416, %get3A_420], %select_n3A_440 : memref<4x64x64xf32, #tpu.memory_space<vmem>>[vector<16xi32>, vector<16xi32>, vector<16xi32>], vector<16xf32>,
        %mul3A_443 = arith.constant 16 : i32
        %mul3A_444 = arith.muli %scan3A_412, %mul3A_443 : i32
        %add3A_445 = arith.constant 64 : i32
        %add3A_446 = arith.addi %add3A_445, %mul3A_444 : i32
        %get3A_447 = arith.constant 2 : i32
        %get3A_448 = arith.index_cast %get3A_447 : i32 to index
        %get3A_449 = arith.index_cast %add3A_446 : i32 to index
        %get3A_450 = tpu.vector_load %arg8[%get3A_448, %get3A_449] {strides = array<i32>} : memref<4x2144xf32, #tpu.memory_space<vmem>>, vector<16xf32>,
        %exp3A_451 = math.exp %get3A_450 : vector<16xf32>
        %select_n3A_452 = arith.select %eq3A, %exp3A_451, %get3A_450 : vector<16xi1>, vector<16xf32>
        %broadcast_in_dim3A_453 = arith.constant 2 : i32
        %broadcast_in_dim3A_454 = vector.broadcast %broadcast_in_dim3A_453 : i32 to vector<16xi32>
        tpu.vector_store_idx %arg14[%broadcast_in_dim3A_454, %get3A_416, %get3A_420], %select_n3A_452 : memref<4x64x64xf32, #tpu.memory_space<vmem>>[vector<16xi32>, vector<16xi32>, vector<16xi32>], vector<16xf32>,
        %mul3A_455 = arith.constant 16 : i32
        %mul3A_456 = arith.muli %scan3A_412, %mul3A_455 : i32
        %add3A_457 = arith.constant 64 : i32
        %add3A_458 = arith.addi %add3A_457, %mul3A_456 : i32
        %get3A_459 = arith.constant 3 : i32
        %get3A_460 = arith.index_cast %get3A_459 : i32 to index
        %get3A_461 = arith.index_cast %add3A_458 : i32 to index
        %get3A_462 = tpu.vector_load %arg8[%get3A_460, %get3A_461] {strides = array<i32>} : memref<4x2144xf32, #tpu.memory_space<vmem>>, vector<16xf32>,
        %exp3A_463 = math.exp %get3A_462 : vector<16xf32>
        %select_n3A_464 = arith.select %eq3A, %exp3A_463, %get3A_462 : vector<16xi1>, vector<16xf32>
        %broadcast_in_dim3A_465 = arith.constant 3 : i32
        %broadcast_in_dim3A_466 = vector.broadcast %broadcast_in_dim3A_465 : i32 to vector<16xi32>
        tpu.vector_store_idx %arg14[%broadcast_in_dim3A_466, %get3A_416, %get3A_420], %select_n3A_464 : memref<4x64x64xf32, #tpu.memory_space<vmem>>[vector<16xi32>, vector<16xi32>, vector<16xi32>], vector<16xf32>,
      }
      %scan3A_260 = arith.constant 130 : i32
      %get3A_261 = arith.constant 0 : i32
      %get3A_262 = arith.index_cast %get3A_261 : i32 to index
      %get3A_263 = arith.constant 0 : index
      %get3A_264 = tpu.vector_load %arg8[%get3A_262, %get3A_263] {strides = array<i32>} : memref<4x2144xf32, #tpu.memory_space<vmem>>, vector<16xf32>,
      %swap3A_265 = arith.constant 0 : i32
      %swap3A_266 = arith.index_cast %swap3A_265 : i32 to index
      %swap3A_267 = arith.constant 0 : index
      %swap3A_268 = tpu.vector_load %arg12[%swap3A_266, %swap3A_267] {strides = array<i32>} : memref<4x64xf32, #tpu.memory_space<vmem>>, vector<16xf32>,
      tpu.vector_store %arg12[%swap3A_266, %swap3A_267], %get3A_264 {strides = array<i32>} : memref<4x64xf32, #tpu.memory_space<vmem>>, vector<16xf32>,
      %get3A_269 = arith.constant 0 : i32
      %get3A_270 = arith.index_cast %get3A_269 : i32 to index
      %get3A_271 = arith.constant 16 : index
      %get3A_272 = tpu.vector_load %arg8[%get3A_270, %get3A_271] {strides = array<i32>} : memref<4x2144xf32, #tpu.memory_space<vmem>>, vector<16xf32>,
      %swap3A_273 = arith.constant 0 : i32
      %swap3A_274 = arith.index_cast %swap3A_273 : i32 to index
      %swap3A_275 = arith.constant 16 : index
      %swap3A_276 = tpu.vector_load %arg12[%swap3A_274, %swap3A_275] {strides = array<i32>} : memref<4x64xf32, #tpu.memory_space<vmem>>, vector<16xf32>,
      tpu.vector_store %arg12[%swap3A_274, %swap3A_275], %get3A_272 {strides = array<i32>} : memref<4x64xf32, #tpu.memory_space<vmem>>, vector<16xf32>,
      %get3A_277 = arith.constant 0 : i32
      %get3A_278 = arith.index_cast %get3A_277 : i32 to index
      %get3A_279 = arith.constant 32 : index
      %get3A_280 = tpu.vector_load %arg8[%get3A_278, %get3A_279] {strides = array<i32>} : memref<4x2144xf32, #tpu.memory_space<vmem>>, vector<16xf32>,
      %swap3A_281 = arith.constant 0 : i32
      %swap3A_282 = arith.index_cast %swap3A_281 : i32 to index
      %swap3A_283 = arith.constant 32 : index
      %swap3A_284 = tpu.vector_load %arg12[%swap3A_282, %swap3A_283] {strides = array<i32>} : memref<4x64xf32, #tpu.memory_space<vmem>>, vector<16xf32>,
      tpu.vector_store %arg12[%swap3A_282, %swap3A_283], %get3A_280 {strides = array<i32>} : memref<4x64xf32, #tpu.memory_space<vmem>>, vector<16xf32>,
      %get3A_285 = arith.constant 0 : i32
      %get3A_286 = arith.index_cast %get3A_285 : i32 to index
      %get3A_287 = arith.constant 48 : index
      %get3A_288 = tpu.vector_load %arg8[%get3A_286, %get3A_287] {strides = array<i32>} : memref<4x2144xf32, #tpu.memory_space<vmem>>, vector<16xf32>,
      %swap3A_289 = arith.constant 0 : i32
      %swap3A_290 = arith.index_cast %swap3A_289 : i32 to index
      %swap3A_291 = arith.constant 48 : index
      %swap3A_292 = tpu.vector_load %arg12[%swap3A_290, %swap3A_291] {strides = array<i32>} : memref<4x64xf32, #tpu.memory_space<vmem>>, vector<16xf32>,
      tpu.vector_store %arg12[%swap3A_290, %swap3A_291], %get3A_288 {strides = array<i32>} : memref<4x64xf32, #tpu.memory_space<vmem>>, vector<16xf32>,
      %get3A_293 = arith.constant 1 : i32
      %get3A_294 = arith.index_cast %get3A_293 : i32 to index
      %get3A_295 = arith.constant 0 : index
      %get3A_296 = tpu.vector_load %arg8[%get3A_294, %get3A_295] {strides = array<i32>} : memref<4x2144xf32, #tpu.memory_space<vmem>>, vector<16xf32>,
      %swap3A_297 = arith.constant 1 : i32
      %swap3A_298 = arith.index_cast %swap3A_297 : i32 to index
      %swap3A_299 = arith.constant 0 : index
      %swap3A_300 = tpu.vector_load %arg12[%swap3A_298, %swap3A_299] {strides = array<i32>} : memref<4x64xf32, #tpu.memory_space<vmem>>, vector<16xf32>,
      tpu.vector_store %arg12[%swap3A_298, %swap3A_299], %get3A_296 {strides = array<i32>} : memref<4x64xf32, #tpu.memory_space<vmem>>, vector<16xf32>,
      %get3A_301 = arith.constant 1 : i32
      %get3A_302 = arith.index_cast %get3A_301 : i32 to index
      %get3A_303 = arith.constant 16 : index
      %get3A_304 = tpu.vector_load %arg8[%get3A_302, %get3A_303] {strides = array<i32>} : memref<4x2144xf32, #tpu.memory_space<vmem>>, vector<16xf32>,
      %swap3A_305 = arith.constant 1 : i32
      %swap3A_306 = arith.index_cast %swap3A_305 : i32 to index
      %swap3A_307 = arith.constant 16 : index
      %swap3A_308 = tpu.vector_load %arg12[%swap3A_306, %swap3A_307] {strides = array<i32>} : memref<4x64xf32, #tpu.memory_space<vmem>>, vector<16xf32>,
      tpu.vector_store %arg12[%swap3A_306, %swap3A_307], %get3A_304 {strides = array<i32>} : memref<4x64xf32, #tpu.memory_space<vmem>>, vector<16xf32>,
      %get3A_309 = arith.constant 1 : i32
      %get3A_310 = arith.index_cast %get3A_309 : i32 to index
      %get3A_311 = arith.constant 32 : index
      %get3A_312 = tpu.vector_load %arg8[%get3A_310, %get3A_311] {strides = array<i32>} : memref<4x2144xf32, #tpu.memory_space<vmem>>, vector<16xf32>,
      %swap3A_313 = arith.constant 1 : i32
      %swap3A_314 = arith.index_cast %swap3A_313 : i32 to index
      %swap3A_315 = arith.constant 32 : index
      %swap3A_316 = tpu.vector_load %arg12[%swap3A_314, %swap3A_315] {strides = array<i32>} : memref<4x64xf32, #tpu.memory_space<vmem>>, vector<16xf32>,
      tpu.vector_store %arg12[%swap3A_314, %swap3A_315], %get3A_312 {strides = array<i32>} : memref<4x64xf32, #tpu.memory_space<vmem>>, vector<16xf32>,
      %get3A_317 = arith.constant 1 : i32
      %get3A_318 = arith.index_cast %get3A_317 : i32 to index
      %get3A_319 = arith.constant 48 : index
      %get3A_320 = tpu.vector_load %arg8[%get3A_318, %get3A_319] {strides = array<i32>} : memref<4x2144xf32, #tpu.memory_space<vmem>>, vector<16xf32>,
      %swap3A_321 = arith.constant 1 : i32
      %swap3A_322 = arith.index_cast %swap3A_321 : i32 to index
      %swap3A_323 = arith.constant 48 : index
      %swap3A_324 = tpu.vector_load %arg12[%swap3A_322, %swap3A_323] {strides = array<i32>} : memref<4x64xf32, #tpu.memory_space<vmem>>, vector<16xf32>,
      tpu.vector_store %arg12[%swap3A_322, %swap3A_323], %get3A_320 {strides = array<i32>} : memref<4x64xf32, #tpu.memory_space<vmem>>, vector<16xf32>,
      %get3A_325 = arith.constant 2 : i32
      %get3A_326 = arith.index_cast %get3A_325 : i32 to index
      %get3A_327 = arith.constant 0 : index
      %get3A_328 = tpu.vector_load %arg8[%get3A_326, %get3A_327] {strides = array<i32>} : memref<4x2144xf32, #tpu.memory_space<vmem>>, vector<16xf32>,
      %swap3A_329 = arith.constant 2 : i32
      %swap3A_330 = arith.index_cast %swap3A_329 : i32 to index
      %swap3A_331 = arith.constant 0 : index
      %swap3A_332 = tpu.vector_load %arg12[%swap3A_330, %swap3A_331] {strides = array<i32>} : memref<4x64xf32, #tpu.memory_space<vmem>>, vector<16xf32>,
      tpu.vector_store %arg12[%swap3A_330, %swap3A_331], %get3A_328 {strides = array<i32>} : memref<4x64xf32, #tpu.memory_space<vmem>>, vector<16xf32>,
      %get3A_333 = arith.constant 2 : i32
      %get3A_334 = arith.index_cast %get3A_333 : i32 to index
      %get3A_335 = arith.constant 16 : index
      %get3A_336 = tpu.vector_load %arg8[%get3A_334, %get3A_335] {strides = array<i32>} : memref<4x2144xf32, #tpu.memory_space<vmem>>, vector<16xf32>,
      %swap3A_337 = arith.constant 2 : i32
      %swap3A_338 = arith.index_cast %swap3A_337 : i32 to index
      %swap3A_339 = arith.constant 16 : index
      %swap3A_340 = tpu.vector_load %arg12[%swap3A_338, %swap3A_339] {strides = array<i32>} : memref<4x64xf32, #tpu.memory_space<vmem>>, vector<16xf32>,
      tpu.vector_store %arg12[%swap3A_338, %swap3A_339], %get3A_336 {strides = array<i32>} : memref<4x64xf32, #tpu.memory_space<vmem>>, vector<16xf32>,
      %get3A_341 = arith.constant 2 : i32
      %get3A_342 = arith.index_cast %get3A_341 : i32 to index
      %get3A_343 = arith.constant 32 : index
      %get3A_344 = tpu.vector_load %arg8[%get3A_342, %get3A_343] {strides = array<i32>} : memref<4x2144xf32, #tpu.memory_space<vmem>>, vector<16xf32>,
      %swap3A_345 = arith.constant 2 : i32
      %swap3A_346 = arith.index_cast %swap3A_345 : i32 to index
      %swap3A_347 = arith.constant 32 : index
      %swap3A_348 = tpu.vector_load %arg12[%swap3A_346, %swap3A_347] {strides = array<i32>} : memref<4x64xf32, #tpu.memory_space<vmem>>, vector<16xf32>,
      tpu.vector_store %arg12[%swap3A_346, %swap3A_347], %get3A_344 {strides = array<i32>} : memref<4x64xf32, #tpu.memory_space<vmem>>, vector<16xf32>,
      %get3A_349 = arith.constant 2 : i32
      %get3A_350 = arith.index_cast %get3A_349 : i32 to index
      %get3A_351 = arith.constant 48 : index
      %get3A_352 = tpu.vector_load %arg8[%get3A_350, %get3A_351] {strides = array<i32>} : memref<4x2144xf32, #tpu.memory_space<vmem>>, vector<16xf32>,
      %swap3A_353 = arith.constant 2 : i32
      %swap3A_354 = arith.index_cast %swap3A_353 : i32 to index
      %swap3A_355 = arith.constant 48 : index
      %swap3A_356 = tpu.vector_load %arg12[%swap3A_354, %swap3A_355] {strides = array<i32>} : memref<4x64xf32, #tpu.memory_space<vmem>>, vector<16xf32>,
      tpu.vector_store %arg12[%swap3A_354, %swap3A_355], %get3A_352 {strides = array<i32>} : memref<4x64xf32, #tpu.memory_space<vmem>>, vector<16xf32>,
      %get3A_357 = arith.constant 3 : i32
      %get3A_358 = arith.index_cast %get3A_357 : i32 to index
      %get3A_359 = arith.constant 0 : index
      %get3A_360 = tpu.vector_load %arg8[%get3A_358, %get3A_359] {strides = array<i32>} : memref<4x2144xf32, #tpu.memory_space<vmem>>, vector<16xf32>,
      %swap3A_361 = arith.constant 3 : i32
      %swap3A_362 = arith.index_cast %swap3A_361 : i32 to index
      %swap3A_363 = arith.constant 0 : index
      %swap3A_364 = tpu.vector_load %arg12[%swap3A_362, %swap3A_363] {strides = array<i32>} : memref<4x64xf32, #tpu.memory_space<vmem>>, vector<16xf32>,
      tpu.vector_store %arg12[%swap3A_362, %swap3A_363], %get3A_360 {strides = array<i32>} : memref<4x64xf32, #tpu.memory_space<vmem>>, vector<16xf32>,
      %get3A_365 = arith.constant 3 : i32
      %get3A_366 = arith.index_cast %get3A_365 : i32 to index
      %get3A_367 = arith.constant 16 : index
      %get3A_368 = tpu.vector_load %arg8[%get3A_366, %get3A_367] {strides = array<i32>} : memref<4x2144xf32, #tpu.memory_space<vmem>>, vector<16xf32>,
      %swap3A_369 = arith.constant 3 : i32
      %swap3A_370 = arith.index_cast %swap3A_369 : i32 to index
      %swap3A_371 = arith.constant 16 : index
      %swap3A_372 = tpu.vector_load %arg12[%swap3A_370, %swap3A_371] {strides = array<i32>} : memref<4x64xf32, #tpu.memory_space<vmem>>, vector<16xf32>,
      tpu.vector_store %arg12[%swap3A_370, %swap3A_371], %get3A_368 {strides = array<i32>} : memref<4x64xf32, #tpu.memory_space<vmem>>, vector<16xf32>,
      %get3A_373 = arith.constant 3 : i32
      %get3A_374 = arith.index_cast %get3A_373 : i32 to index
      %get3A_375 = arith.constant 32 : index
      %get3A_376 = tpu.vector_load %arg8[%get3A_374, %get3A_375] {strides = array<i32>} : memref<4x2144xf32, #tpu.memory_space<vmem>>, vector<16xf32>,
      %swap3A_377 = arith.constant 3 : i32
      %swap3A_378 = arith.index_cast %swap3A_377 : i32 to index
      %swap3A_379 = arith.constant 32 : index
      %swap3A_380 = tpu.vector_load %arg12[%swap3A_378, %swap3A_379] {strides = array<i32>} : memref<4x64xf32, #tpu.memory_space<vmem>>, vector<16xf32>,
      tpu.vector_store %arg12[%swap3A_378, %swap3A_379], %get3A_376 {strides = array<i32>} : memref<4x64xf32, #tpu.memory_space<vmem>>, vector<16xf32>,
      %get3A_381 = arith.constant 3 : i32
      %get3A_382 = arith.index_cast %get3A_381 : i32 to index
      %get3A_383 = arith.constant 48 : index
      %get3A_384 = tpu.vector_load %arg8[%get3A_382, %get3A_383] {strides = array<i32>} : memref<4x2144xf32, #tpu.memory_space<vmem>>, vector<16xf32>,
      %swap3A_385 = arith.constant 3 : i32
      %swap3A_386 = arith.index_cast %swap3A_385 : i32 to index
      %swap3A_387 = arith.constant 48 : index
      %swap3A_388 = tpu.vector_load %arg12[%swap3A_386, %swap3A_387] {strides = array<i32>} : memref<4x64xf32, #tpu.memory_space<vmem>>, vector<16xf32>,
      tpu.vector_store %arg12[%swap3A_386, %swap3A_387], %get3A_384 {strides = array<i32>} : memref<4x64xf32, #tpu.memory_space<vmem>>, vector<16xf32>,
      %mul3A_389 = arith.constant 4 : i32
      %mul3A_390 = arith.muli %add3A_242, %mul3A_389 : i32
      %add3A_391 = arith.addi %mul3A_2, %mul3A_390 : i32
      %dma_start3A_392 = arith.constant 0 : i32
      %dma_start3A_393 = arith.constant 0 : i32
      %dma_start3A_394 = tpu.memref_slice %arg6[%add3A_391, %dma_start3A_392, %dma_start3A_393] : memref<16384x64x64xf32, #tpu.memory_space<hbm>> -> memref<4x64x64xf32, #tpu.memory_space<hbm>>
      %dma_start3A_395 = arith.constant 0 : i32
      %dma_start3A_396 = arith.constant 0 : i32
      %dma_start3A_397 = tpu.memref_slice %arg6[%add3A_391, %dma_start3A_395, %dma_start3A_396] : memref<16384x64x64xf32, #tpu.memory_space<hbm>> -> memref<4x64x64xf32, #tpu.memory_space<hbm>>
      tpu.enqueue_dma source(%arg14 : memref<4x64x64xf32, #tpu.memory_space<vmem>>) target(%dma_start3A_397 : memref<4x64x64xf32, #tpu.memory_space<hbm>>) target_semaphore(%arg18 : memref<!tpu.dma_semaphore, #tpu.memory_space<semaphore_mem>>)
      %mul3A_398 = arith.constant 4 : i32
      %mul3A_399 = arith.muli %add3A_242, %mul3A_398 : i32
      %add3A_400 = arith.addi %mul3A_2, %mul3A_399 : i32
      %dma_start3A_401 = arith.constant 0 : i32
      %dma_start3A_402 = tpu.memref_slice %arg5[%add3A_400, %dma_start3A_401] : memref<16384x64xf32, #tpu.memory_space<hbm>> -> memref<4x64xf32, #tpu.memory_space<hbm>>
      %dma_start3A_403 = arith.constant 0 : i32
      %dma_start3A_404 = tpu.memref_slice %arg5[%add3A_400, %dma_start3A_403] : memref<16384x64xf32, #tpu.memory_space<hbm>> -> memref<4x64xf32, #tpu.memory_space<hbm>>
      tpu.enqueue_dma source(%arg12 : memref<4x64xf32, #tpu.memory_space<vmem>>) target(%dma_start3A_404 : memref<4x64xf32, #tpu.memory_space<hbm>>) target_semaphore(%arg20 : memref<!tpu.dma_semaphore, #tpu.memory_space<semaphore_mem>>)
      %add3A_405 = arith.constant 2 : i32
      %add3A_406 = arith.addi %add3A_242, %add3A_405 : i32
      %lt3A_407 = arith.constant 128 : i32
      %lt3A_408 = arith.cmpi slt, %add3A_406, %lt3A_407 : i32
      %convert_element_type3A_409 = arith.extui %lt3A_408 : i1 to i32
      %cond3A_410 = arith.constant 0 : i32
      %cond3A_411 = arith.cmpi ne, %convert_element_type3A_409, %cond3A_410 : i32
      scf.if %cond3A_411 {
        %add3A_412 = arith.constant 2 : i32
        %add3A_413 = arith.addi %add3A_242, %add3A_412 : i32
        %mul3A_414 = arith.constant 4 : i32
        %mul3A_415 = arith.muli %add3A_413, %mul3A_414 : i32
        %add3A_416 = arith.addi %mul3A_2, %mul3A_415 : i32
        %dma_start3A_417 = arith.constant 0 : i32
        %dma_start3A_418 = tpu.memref_slice %arg2[%add3A_416, %dma_start3A_417] : memref<16384x2144xf32, #tpu.memory_space<hbm>> -> memref<4x2144xf32, #tpu.memory_space<hbm>>
        %dma_start3A_419 = arith.constant 0 : i32
        %dma_start3A_420 = tpu.memref_slice %arg2[%add3A_416, %dma_start3A_419] : memref<16384x2144xf32, #tpu.memory_space<hbm>> -> memref<4x2144xf32, #tpu.memory_space<hbm>>
        tpu.enqueue_dma source(%dma_start3A_420 : memref<4x2144xf32, #tpu.memory_space<hbm>>) target(%arg8 : memref<4x2144xf32, #tpu.memory_space<vmem>>) target_semaphore(%arg16 : memref<!tpu.dma_semaphore, #tpu.memory_space<semaphore_mem>>)
      } else {
      }
    }
    %scan3A_43 = arith.constant 64 : i32
    %add3A_44 = arith.constant 504 : i32
    %add3A_45 = arith.addi %mul3A_2, %add3A_44 : i32
    %dma_wait3A = arith.constant 0 : i32
    %dma_wait3A_46 = arith.constant 0 : i32
    %dma_wait3A_47 = tpu.memref_slice %arg6[%add3A_45, %dma_wait3A, %dma_wait3A_46] : memref<16384x64x64xf32, #tpu.memory_space<hbm>> -> memref<4x64x64xf32, #tpu.memory_space<hbm>>
    %dma_wait3A_48 = arith.constant 0 : i32
    %dma_wait3A_49 = arith.constant 0 : i32
    %dma_wait3A_50 = tpu.memref_slice %arg6[%add3A_45, %dma_wait3A_48, %dma_wait3A_49] : memref<16384x64x64xf32, #tpu.memory_space<hbm>> -> memref<4x64x64xf32, #tpu.memory_space<hbm>>
    tpu.wait_dma2 semaphore(%arg17 : memref<!tpu.dma_semaphore, #tpu.memory_space<semaphore_mem>>) src(%arg13 : memref<4x64x64xf32, #tpu.memory_space<vmem>>) dst(%dma_wait3A_50 : memref<4x64x64xf32, #tpu.memory_space<hbm>>)
    %add3A_51 = arith.constant 504 : i32
    %add3A_52 = arith.addi %mul3A_2, %add3A_51 : i32
    %dma_wait3A_53 = arith.constant 0 : i32
    %dma_wait3A_54 = tpu.memref_slice %arg5[%add3A_52, %dma_wait3A_53] : memref<16384x64xf32, #tpu.memory_space<hbm>> -> memref<4x64xf32, #tpu.memory_space<hbm>>
    %dma_wait3A_55 = arith.constant 0 : i32
    %dma_wait3A_56 = tpu.memref_slice %arg5[%add3A_52, %dma_wait3A_55] : memref<16384x64xf32, #tpu.memory_space<hbm>> -> memref<4x64xf32, #tpu.memory_space<hbm>>
    tpu.wait_dma2 semaphore(%arg19 : memref<!tpu.dma_semaphore, #tpu.memory_space<semaphore_mem>>) src(%arg11 : memref<4x64xf32, #tpu.memory_space<vmem>>) dst(%dma_wait3A_56 : memref<4x64xf32, #tpu.memory_space<hbm>>)
    %add3A_57 = arith.constant 508 : i32
    %add3A_58 = arith.addi %mul3A_2, %add3A_57 : i32
    %dma_wait3A_59 = arith.constant 0 : i32
    %dma_wait3A_60 = arith.constant 0 : i32
    %dma_wait3A_61 = tpu.memref_slice %arg6[%add3A_58, %dma_wait3A_59, %dma_wait3A_60] : memref<16384x64x64xf32, #tpu.memory_space<hbm>> -> memref<4x64x64xf32, #tpu.memory_space<hbm>>
    %dma_wait3A_62 = arith.constant 0 : i32
    %dma_wait3A_63 = arith.constant 0 : i32
    %dma_wait3A_64 = tpu.memref_slice %arg6[%add3A_58, %dma_wait3A_62, %dma_wait3A_63] : memref<16384x64x64xf32, #tpu.memory_space<hbm>> -> memref<4x64x64xf32, #tpu.memory_space<hbm>>
    tpu.wait_dma2 semaphore(%arg18 : memref<!tpu.dma_semaphore, #tpu.memory_space<semaphore_mem>>) src(%arg14 : memref<4x64x64xf32, #tpu.memory_space<vmem>>) dst(%dma_wait3A_64 : memref<4x64x64xf32, #tpu.memory_space<hbm>>)
    %add3A_65 = arith.constant 508 : i32
    %add3A_66 = arith.addi %mul3A_2, %add3A_65 : i32
    %dma_wait3A_67 = arith.constant 0 : i32
    %dma_wait3A_68 = tpu.memref_slice %arg5[%add3A_66, %dma_wait3A_67] : memref<16384x64xf32, #tpu.memory_space<hbm>> -> memref<4x64xf32, #tpu.memory_space<hbm>>
    %dma_wait3A_69 = arith.constant 0 : i32
    %dma_wait3A_70 = tpu.memref_slice %arg5[%add3A_66, %dma_wait3A_69] : memref<16384x64xf32, #tpu.memory_space<hbm>> -> memref<4x64xf32, #tpu.memory_space<hbm>>
    tpu.wait_dma2 semaphore(%arg20 : memref<!tpu.dma_semaphore, #tpu.memory_space<semaphore_mem>>) src(%arg12 : memref<4x64xf32, #tpu.memory_space<vmem>>) dst(%dma_wait3A_70 : memref<4x64xf32, #tpu.memory_space<hbm>>)
    return
  }
}

</mosaic_0001>

<sc_bundles>
// kernel: kernel.3.cloned.1.call-start
scs
__scs_entry_jumppad:
0x0: {  	(pc) =	sbr.rel $0x88, $3  }
0x1: {  	(tag) =	ssettag $0x0;
	lr =	simm.s32 $0x1  }
0x2: {  	[smem:$0x3FA0] =	sst lr;
	_ =	strace $0xD0000000  }
0x3: {  	_ = 	snop  }
0x4: {  	_ = 	snop  }
0x5: {  	_ = 	snop  }
0x6: {  	_ = 	snop  }
0x7: {  	_ = 	snop  }
__scs_overlays_trampoline_lowered:
0x8: {  	[smem:$0x3FAF] =	sst s0  }
0x9: {  	[smem:$0x3FB0] =	sst s1  }
0xa: {  	[smem:$0x3FB1] =	sst s2  }
0xb: {  	[smem:$0x3FB2] =	sst s3  }
0xc: {  	[smem:$0x3FB3] =	sst s4  }
0xd: {  	[smem:$0x3FB4] =	sst s5  }
0xe: {  	[smem:$0x3FB5] =	sst s6  }
0xf: {  	[smem:$0x3FB6] =	sst s7  }
0x10: {  	[smem:$0x3FB7] =	sst s8  }
0x11: {  	[smem:$0x3FB8] =	sst s9;
	s0 =	simm.s32 @!p0 $0x0  }
0x12: {  	s1 =	sld [smem:$0x3F9E];
	s0 =	simm.s32 @p0 $0x1  }
0x13: {  	[smem:$0x3FB9] =	sst s0;
	s0 =	simm.s32 @!p1 $0x0  }
0x14: {  	s2 =	sld [smem:$0x3F9D];
	s0 =	simm.s32 @p1 $0x1  }
0x15: {  	[smem:$0x3FBA] =	sst s0;
	s0 =	simm.s32 @!p2 $0x0  }
0x16: {  	s3 =	sld [smem:$0x3FDB];
	s0 =	simm.s32 @p2 $0x1  }
0x17: {  	s4 =	simm.s32 $0x1BF5;
	[smem:$0x3FBC] =	sst s0  }
0x18: {  	s0 =	sld [smem:$0x3F9F];
	_ =	swait.ge [sflag:s4], $0x0  }
0x19: {  	s7 =	sld [smem:$0x3FA0]  }
0x1a: {  	s8 =	sadd.s32 $0xFFFFE003, lr  }
0x1b: {  	s9 =	sadd.s32 $0xFFFFFEF7, lr;
	s5 =	simm.s32 $0xFFFFFFFF;
	p2 =	slt.u32 s8, $0xFFFFF086  }
0x1c: {  	p1 =	slt.u32 s9, $0xF7A;
	s5 =	simm.s32 @!p2 $0x0  }
0x1d: {  	s5 =	simm.s32 @p1 $0x1;
	p0 =	seq.s32 s7, s2  }
0x1e: {  	s7 =	smul.u32 @!p0 $0xF7A, s2;
	p2 =	seq.s32 @!p0 s5, $0x0  }
0x1f: {  	s9 =	smul.u32 $0xF7A, s1;
	s8 =	simm.s32 @!p0 $0x1BF5;
	p2 =	por !p2, p0  }
0x20: {  	[sflag:s8] =	ssyncset.s32 @!p0 $0xFFFFF086;
	s6 =	sadd.s32 @!p0 s3, s7;
	s7 =	simm.s32 @!p0 $0x108  }
0x21: {  	s3 =	sadd.s32 s3, s9;
	s6 =	sadd.s32 @!p0 $0x88, s6;
	s7 =	simm.s32 @p2 $0x1082  }
0x22: {  	[simem:s7], [sflag:s8] =	dma.local @!p0 [hbm:s6], $0xF7A  }
0x23: {  	s9 =	sor.u32 $0xD0000000, s2;
	s6 =	simm.s32 $0x108;
	_ =	swait.ge @!p0 [sflag:s8], $0x0  }
0x24: {  	s3 =	sadd.s32 $0x88, s3;
	s6 =	simm.s32 @!p1 $0x1082;
	[sflag:s4] =	ssyncset.s32 $0xFFFFF086  }
0x25: {  	[simem:s6], [sflag:s4] =	dma.local [hbm:s3], $0xF7A  }
0x26: {  	[smem:$0x3FA0] =	sst s1;
	(tag) =	ssettag s2;
	_ =	strace s9  }
0x27: {  	s1 =	sld [smem:$0x3FB0]  }
0x28: {  	s2 =	sld [smem:$0x3FB1]  }
0x29: {  	s4 =	sld [smem:$0x3FB3]  }
0x2a: {  	p0 =	seq.s32 s5, $0x0;
	s5 =	sld [smem:$0x3FB4]  }
0x2b: {  	s6 =	sld [smem:$0x3FB5]  }
0x2c: {  	s7 =	sld [smem:$0x3FB6]  }
0x2d: {  	s3 =	simm.s32 $0x108;
	s8 =	sld [smem:$0x3FB7]  }
0x2e: {  	s3 =	simm.s32 @!p0 $0x1082;
	s9 =	sld [smem:$0x3FB8]  }
0x2f: {  	lr =	sadd.s32 s0, s3;
	s0 =	sld [smem:$0x3FAF]  }
0x30: {  	s3 =	sld [smem:$0x3FB2]  }
0x31: {  	[smem:$0x3FBB] =	sst s10  }
0x32: {  	s10 =	sld [smem:$0x3FB9];
	_ =	sdelay $0x3  }
0x33: {  	p0 =	seq.s32 s10, $0x1;
	s10 =	sld [smem:$0x3FBB];
	_ =	sdelay $0x3  }
0x34: {  	[smem:$0x3FBB] =	sst s10  }
0x35: {  	s10 =	sld [smem:$0x3FBA];
	_ =	sdelay $0x3  }
0x36: {  	p1 =	seq.s32 s10, $0x1;
	s10 =	sld [smem:$0x3FBB];
	_ =	sdelay $0x3  }
0x37: {  	[smem:$0x3FBB] =	sst s10  }
0x38: {  	s10 =	sld [smem:$0x3FBC]  }
0x39: {  	_ = 	snop;
	(pc) =	sbr.ind lr, $3  }
0x3a: {  	_ = 	snop  }
0x3b: {  	_ = 	snop  }
0x3c: {  	p2 =	seq.s32 s10, $0x1;
	s10 =	sld [smem:$0x3FBB]  }
0x3d: {  	_ =	shalt  }
0x3e: {  	_ =	shalt  }
0x3f: {  	_ =	shalt  }
0x40: {  	_ =	shalt  }
0x41: {  	_ =	shalt  }
0x42: {  	_ =	shalt  }
0x43: {  	_ =	shalt  }
0x44: {  	_ =	shalt  }
0x45: {  	_ =	shalt  }
0x46: {  	_ =	shalt  }
0x47: {  	_ =	shalt  }
0x48: {  	_ =	shalt  }
0x49: {  	_ =	shalt  }
0x4a: {  	_ =	shalt  }
0x4b: {  	_ =	shalt  }
0x4c: {  	_ =	shalt  }
0x4d: {  	_ =	shalt  }
0x4e: {  	_ =	shalt  }
0x4f: {  	_ =	shalt  }
0x50: {  	_ =	shalt  }
0x51: {  	_ =	shalt  }
0x52: {  	_ =	shalt  }
0x53: {  	_ =	shalt  }
0x54: {  	_ =	shalt  }
0x55: {  	_ =	shalt  }
0x56: {  	_ =	shalt  }
0x57: {  	_ =	shalt  }
0x58: {  	_ =	shalt  }
0x59: {  	_ =	shalt  }
0x5a: {  	_ =	shalt  }
0x5b: {  	_ =	shalt  }
0x5c: {  	_ =	shalt  }
0x5d: {  	_ =	shalt  }
0x5e: {  	_ =	shalt  }
0x5f: {  	_ =	shalt  }
0x60: {  	_ =	shalt  }
0x61: {  	_ =	shalt  }
0x62: {  	_ =	shalt  }
0x63: {  	_ =	shalt  }
0x64: {  	_ =	shalt  }
0x65: {  	_ =	shalt  }
0x66: {  	_ =	shalt  }
0x67: {  	_ =	shalt  }
0x68: {  	_ =	shalt  }
0x69: {  	_ =	shalt  }
0x6a: {  	_ =	shalt  }
0x6b: {  	_ =	shalt  }
0x6c: {  	_ =	shalt  }
0x6d: {  	_ =	shalt  }
0x6e: {  	_ =	shalt  }
0x6f: {  	_ =	shalt  }
0x70: {  	_ =	shalt  }
0x71: {  	_ =	shalt  }
0x72: {  	_ =	shalt  }
0x73: {  	_ =	shalt  }
0x74: {  	_ =	shalt  }
0x75: {  	_ =	shalt  }
0x76: {  	_ =	shalt  }
0x77: {  	_ =	shalt  }
0x78: {  	_ =	shalt  }
0x79: {  	_ =	shalt  }
0x7a: {  	_ =	shalt  }
0x7b: {  	_ =	shalt  }
0x7c: {  	_ =	shalt  }
0x7d: {  	_ =	shalt  }
0x7e: {  	_ =	shalt  }
0x7f: {  	_ =	shalt  }
0x80: {  	_ =	shalt  }
0x81: {  	_ =	shalt  }
0x82: {  	_ =	shalt  }
0x83: {  	_ =	shalt  }
0x84: {  	_ =	shalt  }
0x85: {  	_ =	shalt  }
0x86: {  	_ =	shalt  }
0x87: {  	_ =	shalt  }
.Lfunc_end0:
.L_simem_size_0:
called_computation_lowered:
.L_overlay_start_0:
0x88: {  	s2 =	sld [smem:$0x3FD9]  }
0x89: {  	s3 =	sld [smem:$0x3FFE];
	_ =	sdelay $0x1  }
0x8a: {  	s1 =	srdreg.scid  }
0x8b: {  	s0 =	sand.u32 $0x1, s1  }
0x8c: {  	s14 =	sshll.u32 s0, $0xA;
	s2 =	sadd.s32 s3, s2  }
0x8d: {  	s2 =	sadd.s32 s2, s14  }
0x8e: {  	[smem:$0x3FC7] =	sst s2  }
0x8f: {  	_ = 	snop  }
0x90: {  	s2 =	sld [smem:$0x3FD0];
	_ =	sdelay $0x2  }
0x91: {  	s15 =	simm.s32 $0xA;
	s4 =	simm.s32 $0x10  }
0x92: {  	[smem:s4], [sflag:s15] =	dma.local [hbm:s2], $0x1  }
0x93: {  	_ =	swait.eq [sflag:s15], $0x1  }
0x94: {  	[sflag:s15] =	ssyncset.done $0x0  }
0x95: {  	s16 =	sld [smem:$0x10];
	[sflag:s15] =	ssyncadd.s32 $0xFFFFFFFF  }
0x96: {  	s17 =	sld [smem:$0x11];
	(tm) =	ssettm $0x1  }
0x97: {  	s18 =	sld [smem:$0x3FFB];
	_ =	sdelay $0x3  }
0x98: {  	_ =	strace s18  }
0x99: {  	s4 =	sld [smem:$0x3FFC];
	_ =	sdelay $0x3  }
0x9a: {  	_ =	strace s4  }
0x9b: {  	s4 =	sld [smem:$0x3FFD];
	_ =	sdelay $0x3  }
0x9c: {  	_ =	strace s4  }
0x9d: {  	_ =	strace $0x8FFFFFFF  }
0x9e: {  	s19 =	sld [smem:$0x3FDB];
	_ =	sdelay $0x1  }
0x9f: {  	s5 =	simm.s32 $_scs_section_size  }
0xa0: {  	s6 =	simm.s32 $_size__tile_overlayer_lowered;
	s7 =	simm.s32 $_tile_overlayer_lowered  }
0xa1: {  	s22 =	simm.s32 $0x1BFF;
	s21 =	sshll.u32 s7, $0x1;
	s4 =	sadd.s32 s5, s19  }
0xa2: {  	s8 =	simm.s32 $0x0;
	s20 =	sshll.u32 s6, $0x1;
	s6 =	sadd.s32 s21, s4  }
0xa3: {  	[timem:s8], [sflag:s22] =	dma.local [hbm:s6], s20  }
0xa4: {  	_ =	swait.ge [sflag:s22], s20  }
0xa5: {  	s5 =	ssub.s32 $0x0, s20;
	[sflag:s22] =	ssyncset.done $0x0  }
0xa6: {  	[sflag:s22] =	ssyncadd.s32 s5;
	_ =	sdelay $0x1  }
0xa7: {  	s23 =	simm.s32 $0x1B8B  }
0xa8: {  	_ =	swait.ge [sflag:s23], $0x1  }
0xa9: {  	[sflag:s23] =	ssyncset.done $0x0  }
0xaa: {  	s25 =	simm.s32 $0x1B8E;
	s24 =	sld [smem:$0x3FFE];
	[sflag:s23] =	ssyncadd.s32 $0xFFFFFFFF  }
0xab: {  	s26 =	simm.s32 $execute0_lowered;
	[smem:$0x3FD2] =	sst s25  }
0xac: {  	s6 =	sshll.u32 s26, $0x1;
	_ =	strace $0x80000046;
	[dreg:$0x1] =	wrdreg $0xFFFFFFFF  }
0xad: {  	s28 =	simm.s32 $_size_execute0_lowered;
	s4 =	sadd.s32 s4, s6;
	[dreg:$0x0] =	wrdreg $0x0  }
0xae: {  	s6 =	sshll.u32 s28, $0x1;
	[dreg:$0x2] =	wrdreg s4  }
0xaf: {  	[dreg:$0x3] =	wrdreg s6  }
0xb0: {  	[dreg:$0x4] =	wrdreg $0xC0  }
0xb1: {  	_ =	task [dreg:s8], $0x5FFFF  }
0xb2: {  	[dreg:$0x1] =	wrdreg $0xFFFFFFFF  }
0xb3: {  	[dreg:$0x0] =	wrdreg $0x60  }
0xb4: {  	[dreg:$0x2] =	wrdreg s17  }
0xb5: {  	[dreg:$0x3] =	wrdreg s16  }
0xb6: {  	[dreg:$0x4] =	wrdreg s24  }
0xb7: {  	[dreg:$0x5] =	wrdreg $0x9  }
0xb8: {  	_ =	task.clear_ibuf [dreg:s8], $0x6FFFF;
	_ =	strace $0x90000046  }
0xb9: {  	s29 =	simm.s32 $0x9;
	_ =	strace $0x80000048  }
0xba: {  	_ =	swait.ge [sflag:s29], $0x1  }
0xbb: {  	[sflag:s29] =	ssyncadd.s32 $0xFFFFFFFF  }
0xbc: {  	_ =	strace $0x90000048  }
0xbd: {  	_ =	sfence  }
0xbe: {  	s30 =	sld [smem:$0x0];
	_ =	sdelay $0x2  }
0xbf: {  	s31 =	sshll.u32 s1, $0xD;
	s1 =	sshrl.u32 s1, $0x2  }
0xc0: {  	s3 =	sand.u32 $0x4000, s31;
	s1 =	sadd.s32 s1, s30  }
0xc1: {  	s0 =	sor.u32 s3, s0;
	s1 =	sshll.u32 s1, $0x11  }
0xc2: {  	s0 =	sor.u32 s1, s0  }
0xc3: {  	s0 =	sadd.s32 $0x8F2B, s0  }
0xc4: {  	[sflag:s0] =	ssyncadd.remote.s32 $0x1  }
0xc5: {  	_ =	sfence.sel $0xFFFF  }
0xc6: {  	[dreg:$0x0] =	wrdreg $0xFFFFFFFF;
	(pc) =	sbr.abs _section_cstart, $3  }
0xc7: {  	[dreg:$0x1] =	wrdreg $0xFFFFFFFF  }
0xc8: {  	_ =	task.clear_ibuf [dreg:s8], $0x2FFFF;
	_ =	strace $0x9FFFFFFF  }
0xc9: {  	(tm) =	ssettm $0x7FFFFFFF  }
tec
execute0_lowered:
.L_overlay_start_1:
0x0: {  	(tag) =	ssettag $0x1  }
0x1: {  	s1 =	rddreg [dreg:$0x0]  }
0x2: {  	s0 =	rddreg [dreg:$0x2];
	s2 =	srdreg.scid  }
0x3: {  	s4 =	simm.s32 $0x0;
	s3 =	stileid.u32;
	s15 =	simm.s32 $0x7  }
0x4: {  	s17 =	simm.s32 $0x200;
	s18 =	simm.s32 $0x400;
	s19 =	simm.s32 $0x2200  }
0x5: {  	s20 =	simm.s32 $0x1;
	s21 =	simm.s32 $0x5900;
	s22 =	simm.s32 $0x5500  }
0x6: {  	s28 =	simm.s32 $0x5;
	s29 =	simm.s32 $0x4;
	s30 =	simm.s32 $0x6  }
0x7: {  	s31 =	simm.s32 $0x0;
	s2 =	sand.u32 $0x1, s2;
	[smem:$0x7FF] =	sst s4  }
0x8: {  	s3 =	sshll.u32 s3, $0xA;
	s23 =	sadd.s32 $0xC00, s0;
	s7 =	sadd.s32 $0xE00, s0  }
0x9: {  	s8 =	sadd.s32 $0x40E00, s0;
	s9 =	sadd.s32 $0x40, s1;
	s5 =	sshll.u32 s2, $0x9  }
0xa: {  	_ =	strace $0x80000047;
	s2 =	ssub.s32 $0x2, s2;
	s5 =	sor.u32 s5, s3  }
.Ltmp0:
0xb: {  	s6 =	sshrl.u32 s2, $0x1;
	s24 =	sshrl.u32 s5, $0x3;
	(pc) =	sbr.rel .LBB2_1-.Ltmp0, $4  }
0xc: {  	[dreg:$0x4] =	wrdreg s23;
	s25 =	ssub.s32 s2, s6;
	s11 =	smul.u32 $0x880, s24  }
0xd: {  	s23 =	simm.s32 $0x2;
	s12 =	smax.u32 s25, $0x1;
	s13 =	sor.u32 $0x1, s24  }
0xe: {  	s24 =	simm.s32 $0xD900;
	s25 =	simm.s32 $0x5700;
	s26 =	sadd.s32 s1, s11  }
0xf: {  	v0 =	vimm.f32 $0.0e+00;
	s11 =	sadd.s32 s11, s9;
	[dreg:$0x5] =	wrdreg s26;
	s26 =	simm.s32 $0x3  }
.LBB2_16:
0x10: {  	_ =	swait.ge [sflag:s26], $0x8000  }
0x11: {  	[sflag:s26] =	ssyncset.done $0x0  }
0x12: {  	[sflag:s26] =	ssyncadd.s32 $0xFFFF8000  }
0x13: {  	_ =	swait.ge [sflag:s28], $0x200  }
0x14: {  	[sflag:s28] =	ssyncset.done $0x0  }
0x15: {  	s31 =	sadd.s32 $0x1, s31;
	[sflag:s28] =	ssyncadd.s32 $0xFFFFFE00  }
0x16: {  	p0 =	sne.s32 s31, s12;
	_ =	swait.ge [sflag:s29], $0x8000  }
.Ltmp1:
0x17: {  	[sflag:s29] =	ssyncset.done $0x0;
	(pc) =	sbr.rel @!p0 .LBB2_17-.Ltmp1, $4  }
0x18: {  	[sflag:s29] =	ssyncadd.s32 $0xFFFF8000  }
0x19: {  	_ =	swait.ge [sflag:s30], $0x200  }
0x1a: {  	[sflag:s30] =	ssyncset.done $0x0  }
0x1b: {  	[sflag:s30] =	ssyncadd.s32 $0xFFFFFE00  }
.LBB2_1:
0x1c: {  	s0 =	rddreg [dreg:$0x1];
	s2 =	simm.s32 $0x4400  }
0x1d: {  	[tilespmem:s2], [sflag:$0x7] =	stream.linear.gather [hbm4b:s0+s4], $0x880, $0x38;
	[tilespmem:$0x15900] =	vst v63  }
0x1e: {  	_ =	swait.ge [sflag:s15], $0x880  }
0x1f: {  	[sflag:s15] =	ssyncset.done $0x0  }
0x20: {  	s16 =	simm.s32 $0x4C80;
	s14 =	rddreg [dreg:$0x4];
	[sflag:s15] =	ssyncadd.s32 $0xFFFFF780  }
0x21: {  	[tilespmem:s16], [sflag:$0x7] =	stream.linear.gather [hbm4b:s14+s4], $0x880, $0x38;
	[tilespmem:$0x15900] =	vst v63  }
0x22: {  	_ =	swait.ge [sflag:s15], $0x880  }
0x23: {  	[sflag:s15] =	ssyncset.done $0x0  }
0x24: {  	s0 =	simm.s32 $0x0;
	s2 =	simm.s32 $0x200;
	[sflag:s15] =	ssyncadd.s32 $0xFFFFF780  }
.LBB2_2:
0x25: {  	p0 =	sne.s32 s2, $0x7E00;
	[tilespmem:s0+$0xD930] =	vst v0  }
0x26: {  	[tilespmem:s0+$0x5900] =	vst v0  }
0x27: {  	[tilespmem:s0+$0xD900] =	vst v0  }
.Ltmp2:
0x28: {  	[tilespmem:s0+$0x5910] =	vst v0;
	(pc) =	sbr.rel @p0 .LBB2_2-.Ltmp2, $4  }
0x29: {  	[tilespmem:s0+$0xD910] =	vst v0  }
0x2a: {  	[tilespmem:s0+$0x5920] =	vst v0  }
0x2b: {  	[tilespmem:s0+$0xD920] =	vst v0  }
0x2c: {  	[tilespmem:s0+$0x5930] =	vst v0;
	s0 =	sshra.s32 s2, $0x2;
	s2 =	sadd.s32 $0x200, s2  }
0x2d: {  	[tilespmem:s0+$0xD930] =	vst v0  }
0x2e: {  	[tilespmem:s0+$0x5900] =	vst v0  }
0x2f: {  	[tilespmem:s0+$0xD900] =	vst v0  }
0x30: {  	[tilespmem:s0+$0x5910] =	vst v0  }
0x31: {  	[tilespmem:s0+$0xD910] =	vst v0  }
0x32: {  	[tilespmem:s0+$0x5920] =	vst v0  }
0x33: {  	[tilespmem:s0+$0xD920] =	vst v0  }
0x34: {  	[tilespmem:s0+$0x5930] =	vst v0;
	s0 =	simm.s32 $0x0;
	s2 =	simm.s32 $0x200  }
.LBB2_4:
0x35: {  	p0 =	sne.s32 s2, $0x7E00;
	[tilespmem:s0+$0xF930] =	vst v0  }
0x36: {  	[tilespmem:s0+$0x7900] =	vst v0  }
0x37: {  	[tilespmem:s0+$0xF900] =	vst v0  }
.Ltmp3:
0x38: {  	[tilespmem:s0+$0x7910] =	vst v0;
	(pc) =	sbr.rel @p0 .LBB2_4-.Ltmp3, $4  }
0x39: {  	[tilespmem:s0+$0xF910] =	vst v0  }
0x3a: {  	[tilespmem:s0+$0x7920] =	vst v0  }
0x3b: {  	[tilespmem:s0+$0xF920] =	vst v0  }
0x3c: {  	[tilespmem:s0+$0x7930] =	vst v0;
	s0 =	sshra.s32 s2, $0x2;
	s2 =	sadd.s32 $0x200, s2  }
0x3d: {  	[tilespmem:s0+$0xF930] =	vst v0  }
0x3e: {  	[tilespmem:s0+$0x7900] =	vst v0  }
0x3f: {  	[tilespmem:s0+$0xF900] =	vst v0  }
0x40: {  	[tilespmem:s0+$0x7910] =	vst v0  }
0x41: {  	[tilespmem:s0+$0xF910] =	vst v0  }
0x42: {  	[tilespmem:s0+$0x7920] =	vst v0  }
0x43: {  	[tilespmem:s0+$0xF920] =	vst v0  }
0x44: {  	[tilespmem:s0+$0x7930] =	vst v0;
	s0 =	simm.s32 $0x0;
	s2 =	simm.s32 $0x200  }
.LBB2_6:
0x45: {  	p0 =	sne.s32 s2, $0x7E00;
	[tilespmem:s0+$0x11930] =	vst v0  }
0x46: {  	[tilespmem:s0+$0x9900] =	vst v0  }
0x47: {  	[tilespmem:s0+$0x11900] =	vst v0  }
.Ltmp4:
0x48: {  	[tilespmem:s0+$0x9910] =	vst v0;
	(pc) =	sbr.rel @p0 .LBB2_6-.Ltmp4, $4  }
0x49: {  	[tilespmem:s0+$0x11910] =	vst v0  }
0x4a: {  	[tilespmem:s0+$0x9920] =	vst v0  }
0x4b: {  	[tilespmem:s0+$0x11920] =	vst v0  }
0x4c: {  	[tilespmem:s0+$0x9930] =	vst v0;
	s0 =	sshra.s32 s2, $0x2;
	s2 =	sadd.s32 $0x200, s2  }
0x4d: {  	[tilespmem:s0+$0x11930] =	vst v0  }
0x4e: {  	[tilespmem:s0+$0x9900] =	vst v0  }
0x4f: {  	[tilespmem:s0+$0x11900] =	vst v0  }
0x50: {  	[tilespmem:s0+$0x9910] =	vst v0  }
0x51: {  	[tilespmem:s0+$0x11910] =	vst v0  }
0x52: {  	[tilespmem:s0+$0x9920] =	vst v0  }
0x53: {  	[tilespmem:s0+$0x11920] =	vst v0  }
0x54: {  	[tilespmem:s0+$0x9930] =	vst v0;
	s0 =	simm.s32 $0x0;
	s2 =	simm.s32 $0x200  }
.LBB2_8:
0x55: {  	p0 =	sne.s32 s2, $0x7E00;
	[tilespmem:s0+$0x13930] =	vst v0  }
0x56: {  	[tilespmem:s0+$0xB900] =	vst v0  }
0x57: {  	[tilespmem:s0+$0x13900] =	vst v0  }
.Ltmp5:
0x58: {  	[tilespmem:s0+$0xB910] =	vst v0;
	(pc) =	sbr.rel @p0 .LBB2_8-.Ltmp5, $4  }
0x59: {  	[tilespmem:s0+$0x13910] =	vst v0  }
0x5a: {  	[tilespmem:s0+$0xB920] =	vst v0  }
0x5b: {  	[tilespmem:s0+$0x13920] =	vst v0  }
0x5c: {  	[tilespmem:s0+$0xB930] =	vst v0;
	s0 =	sshra.s32 s2, $0x2;
	s2 =	sadd.s32 $0x200, s2  }
0x5d: {  	[tilespmem:s0+$0x13930] =	vst v0  }
0x5e: {  	[tilespmem:s0+$0xB900] =	vst v0  }
0x5f: {  	[tilespmem:s0+$0x13900] =	vst v0  }
0x60: {  	[tilespmem:s0+$0xB910] =	vst v0  }
0x61: {  	[tilespmem:s0+$0x13910] =	vst v0  }
0x62: {  	[tilespmem:s0+$0xB920] =	vst v0  }
0x63: {  	[tilespmem:s0+$0x13920] =	vst v0  }
0x64: {  	[tilespmem:s0+$0xB930] =	vst v0;
	s0 =	simm.s32 $0x0;
	s2 =	rddreg [dreg:$0x5]  }
0x65: {  	[tilespmem:s0], [sflag:$0x1] =	stream.strided.gather [hbm4b:s2+s17], $0x2200, s18, s17, $0x38;
	[tilespmem:$0x15900] =	vst v63  }
0x66: {  	_ = 	snop  }
0x67: {  	[tilespmem:s19], [sflag:$0x2] =	stream.strided.gather [hbm4b:s11+s17], $0x2200, s18, s17, $0x38;
	[tilespmem:$0x15900] =	vst v63  }
.LBB2_10:
0x68: {  	_ =	swait.ge [sflag:s20], $0x2200  }
0x69: {  	p0 =	seq.s32 s0, $0x0;
	[sflag:s20] =	ssyncset.done $0x0  }
0x6a: {  	s2 =	simm.s32 @!p0 $0x3;
	[sflag:s20] =	ssyncadd.s32 $0xFFFFDE00  }
0x6b: {  	_ =	swait.ge @!p0 [sflag:s2], $0x8000  }
0x6c: {  	[sflag:s2] =	ssyncset.done @!p0 $0x0  }
0x6d: {  	[sflag:s2] =	ssyncadd.s32 @!p0 $0xFFFF8000;
	s2 =	simm.s32 @!p0 $0x5  }
0x6e: {  	s3 =	simm.s32 $0x40;
	s6 =	simm.s32 $0x100;
	_ =	swait.ge @!p0 [sflag:s2], $0x200  }
0x6f: {  	s3 =	sand.u32 $0x70, s3;
	s6 =	sand.u32 $0x7E00, s6;
	[sflag:s2] =	ssyncset.done @!p0 $0x0  }
0x70: {  	s14 =	sor.u32 s3, s6;
	[sflag:s2] =	ssyncadd.s32 @!p0 $0xFFFFFE00  }
0x71: {  	v1 =	vld [tilespmem:s14+$0x0];
	_ =	sdelay $0x3  }
0x72: {  	s16 =	simm.s32 $0x0  }
0x73: {  	v2 =	vld [tilespmem:s16+$0x4C80];
	v3 =	vmul.f32 $1.442695020e+00, v1  }
0x74: {  	v4 =	vld [tilespmem:s16+$0x4400]  }
0x75: {  	(erf) = vpow2.f32 v3;
	_ =	sdelay $0x3  }
0x76: {  	v5 =	vshll.u32 v4, $0x7;
	v3 =	vand.u32 $0xFFFFFF80, v2  }
0x77: {  	v6 =	vand.u32 $0x7F, v2;
	v3 =	vadd.s32 v5, v3  }
0x78: {  	v3 =	vor.u32 v6, v3;
	_ =	sdelay $0x2  }
0x79: {  	vm0 =	veq.s32 v4, v2;
	v2 =	vpop (erf)  }
0x7a: {  	v1 =	vsel vm0, v2, v1  }
0x7b: {  	[tilespmem:v3+s21+$0x0] =	vst.idx.msk $0xffff, v1  }
0x7c: {  	v1 =	vld [tilespmem:s14+$0x80];
	_ =	sdelay $0x4  }
0x7d: {  	v2 =	vmul.f32 $1.442695020e+00, v1;
	_ =	sdelay $0x1  }
0x7e: {  	(erf) = vpow2.f32 v2;
	_ =	sdelay $0x5  }
0x7f: {  	v2 =	vadd.s32 $0x2000, v3;
	_ =	sdelay $0x2  }
0x80: {  	v61 =	vpop (erf)  }
0x81: {  	v1 =	vsel vm0, v61, v1  }
0x82: {  	[tilespmem:v2+s21+$0x0] =	vst.idx.msk $0xffff, v1  }
0x83: {  	v1 =	vld [tilespmem:s14+$0x100];
	_ =	sdelay $0x4  }
0x84: {  	v2 =	vmul.f32 $1.442695020e+00, v1;
	_ =	sdelay $0x1  }
0x85: {  	(erf) = vpow2.f32 v2;
	_ =	sdelay $0x5  }
0x86: {  	v2 =	vadd.s32 $0x4000, v3;
	_ =	sdelay $0x2  }
0x87: {  	v62 =	vpop (erf)  }
0x88: {  	v1 =	vsel vm0, v62, v1  }
0x89: {  	[tilespmem:v2+s21+$0x0] =	vst.idx.msk $0xffff, v1  }
0x8a: {  	v2 =	vld [tilespmem:s14+$0x180];
	_ =	sdelay $0x4  }
0x8b: {  	v1 =	vmul.f32 $1.442695020e+00, v2;
	_ =	sdelay $0x1  }
0x8c: {  	(erf) = vpow2.f32 v1;
	_ =	sdelay $0x6  }
0x8d: {  	v1 =	vadd.s32 $0x6000, v3  }
0x8e: {  	s10 =	simm.s32 $0x50;
	s6 =	sshll.u32 s0, $0x3  }
0x8f: {  	s3 =	sor.u32 s5, s6;
	s6 =	sand.u32 $0x70, s10;
	s16 =	simm.s32 $0x140;
	v63 =	vpop (erf)  }
0x90: {  	s2 =	simm.s32 $0x40;
	s16 =	sand.u32 $0x7E00, s16;
	s14 =	simm.s32 $0x60;
	v2 =	vsel vm0, v63, v2  }
.LBB2_11:
0x91: {  	p1 =	sne.s32 s14, $0x850  }
0x92: {  	s6 =	sor.u32 s6, s16;
	[tilespmem:v1+s21+$0x0] =	vst.idx.msk $0xffff, v2;
	s16 =	smov.u32 s14;
	s14 =	sadd.s32 $0x10, s14  }
0x93: {  	v1 =	vld [tilespmem:s6+$0x0];
	_ =	sdelay $0x3  }
0x94: {  	s10 =	sshra.s32 s2, $0x2  }
0x95: {  	v2 =	vld [tilespmem:s10+$0x4C80];
	v3 =	vmul.f32 $1.442695020e+00, v1  }
0x96: {  	v4 =	vld [tilespmem:s10+$0x4400]  }
0x97: {  	(erf) = vpow2.f32 v3;
	_ =	sdelay $0x3  }
0x98: {  	v3 =	vand.u32 $0xFFFFFF80, v2;
	v5 =	vshll.u32 v4, $0x7  }
0x99: {  	v6 =	vand.u32 $0x7F, v2;
	v3 =	vadd.s32 v5, v3  }
0x9a: {  	v3 =	vor.u32 v6, v3;
	_ =	sdelay $0x2  }
0x9b: {  	vm0 =	veq.s32 v4, v2;
	v2 =	vpop (erf)  }
0x9c: {  	v1 =	vsel vm0, v2, v1  }
0x9d: {  	[tilespmem:v3+s21+$0x0] =	vst.idx.msk $0xffff, v1  }
0x9e: {  	v1 =	vld [tilespmem:s6+$0x80];
	_ =	sdelay $0x4  }
0x9f: {  	v2 =	vmul.f32 $1.442695020e+00, v1;
	_ =	sdelay $0x1  }
0xa0: {  	(erf) = vpow2.f32 v2;
	_ =	sdelay $0x5  }
0xa1: {  	v2 =	vadd.s32 $0x2000, v3;
	_ =	sdelay $0x2  }
0xa2: {  	v4 =	vpop (erf)  }
0xa3: {  	v1 =	vsel vm0, v4, v1  }
0xa4: {  	[tilespmem:v2+s21+$0x0] =	vst.idx.msk $0xffff, v1  }
0xa5: {  	v1 =	vld [tilespmem:s6+$0x100];
	_ =	sdelay $0x4  }
0xa6: {  	v2 =	vmul.f32 $1.442695020e+00, v1;
	_ =	sdelay $0x1  }
0xa7: {  	(erf) = vpow2.f32 v2;
	_ =	sdelay $0x5  }
0xa8: {  	v2 =	vadd.s32 $0x4000, v3;
	_ =	sdelay $0x2  }
0xa9: {  	v4 =	vpop (erf)  }
0xaa: {  	v1 =	vsel vm0, v4, v1  }
0xab: {  	[tilespmem:v2+s21+$0x0] =	vst.idx.msk $0xffff, v1  }
0xac: {  	v2 =	vld [tilespmem:s6+$0x180];
	_ =	sdelay $0x4  }
0xad: {  	v1 =	vmul.f32 $1.442695020e+00, v2;
	_ =	sdelay $0x1  }
0xae: {  	(erf) = vpow2.f32 v1;
	_ =	sdelay $0x5  }
.Ltmp6:
0xaf: {  	v1 =	vadd.s32 $0x6000, v3;
	(pc) =	sbr.rel @p1 .LBB2_11-.Ltmp6, $4  }
0xb0: {  	_ = 	snop  }
0xb1: {  	s2 =	sadd.s32 $0x40, s2  }
0xb2: {  	s10 =	sadd.s32 $0x100, s2;
	v3 =	vpop (erf)  }
0xb3: {  	s6 =	sand.u32 $0x70, s16;
	s16 =	sand.u32 $0x7E00, s10;
	v2 =	vsel vm0, v3, v2  }
0xb4: {  	_ =	sdelay $0x3  }
0xb5: {  	s6 =	sor.u32 s6, s16;
	[tilespmem:v1+s21+$0x0] =	vst.idx.msk $0xffff, v2  }
0xb6: {  	v1 =	vld [tilespmem:s6+$0x0];
	_ =	sdelay $0x3  }
0xb7: {  	s2 =	sshra.s32 s2, $0x2  }
0xb8: {  	v2 =	vld [tilespmem:s2+$0x4C80];
	v3 =	vmul.f32 $1.442695020e+00, v1  }
0xb9: {  	v4 =	vld [tilespmem:s2+$0x4400]  }
0xba: {  	(erf) = vpow2.f32 v3;
	_ =	sdelay $0x3  }
0xbb: {  	v5 =	vshll.u32 v4, $0x7;
	v3 =	vand.u32 $0xFFFFFF80, v2  }
0xbc: {  	v6 =	vand.u32 $0x7F, v2;
	v3 =	vadd.s32 v5, v3  }
0xbd: {  	v3 =	vor.u32 v6, v3;
	_ =	sdelay $0x2  }
0xbe: {  	vm0 =	veq.s32 v4, v2;
	v2 =	vpop (erf)  }
0xbf: {  	v1 =	vsel vm0, v2, v1  }
0xc0: {  	[tilespmem:v3+s21+$0x0] =	vst.idx.msk $0xffff, v1  }
0xc1: {  	v1 =	vld [tilespmem:s6+$0x80];
	_ =	sdelay $0x4  }
0xc2: {  	v2 =	vmul.f32 $1.442695020e+00, v1;
	_ =	sdelay $0x1  }
0xc3: {  	(erf) = vpow2.f32 v2;
	_ =	sdelay $0x5  }
0xc4: {  	v2 =	vadd.s32 $0x2000, v3;
	_ =	sdelay $0x2  }
0xc5: {  	v50 =	vpop (erf)  }
0xc6: {  	v1 =	vsel vm0, v50, v1  }
0xc7: {  	[tilespmem:v2+s21+$0x0] =	vst.idx.msk $0xffff, v1  }
0xc8: {  	v1 =	vld [tilespmem:s6+$0x100];
	_ =	sdelay $0x4  }
0xc9: {  	v2 =	vmul.f32 $1.442695020e+00, v1;
	_ =	sdelay $0x1  }
0xca: {  	(erf) = vpow2.f32 v2;
	_ =	sdelay $0x5  }
0xcb: {  	v2 =	vadd.s32 $0x4000, v3;
	_ =	sdelay $0x2  }
0xcc: {  	v51 =	vpop (erf)  }
0xcd: {  	v1 =	vsel vm0, v51, v1  }
0xce: {  	[tilespmem:v2+s21+$0x0] =	vst.idx.msk $0xffff, v1  }
0xcf: {  	v1 =	vld [tilespmem:s6+$0x180];
	_ =	sdelay $0x4  }
0xd0: {  	v2 =	vmul.f32 $1.442695020e+00, v1;
	_ =	sdelay $0x1  }
0xd1: {  	(erf) = vpow2.f32 v2;
	_ =	sdelay $0x5  }
0xd2: {  	v2 =	vadd.s32 $0x6000, v3;
	_ =	sdelay $0x2  }
0xd3: {  	v3 =	vpop (erf)  }
0xd4: {  	v1 =	vsel vm0, v3, v1  }
0xd5: {  	[tilespmem:v2+s21+$0x0] =	vst.idx.msk $0xffff, v1  }
0xd6: {  	v1 =	vld [tilespmem:$0x0]  }
0xd7: {  	v2 =	vld [tilespmem:$0x10]  }
0xd8: {  	v3 =	vld [tilespmem:$0x20]  }
0xd9: {  	v52 =	vld [tilespmem:$0x30]  }
0xda: {  	v53 =	vld [tilespmem:$0x80]  }
0xdb: {  	[tilespmem:$0x5500] =	vst v1;
	v1 =	vld [tilespmem:$0x90]  }
0xdc: {  	v54 =	vld [tilespmem:$0x100];
	[tilespmem:$0x5510] =	vst v2  }
0xdd: {  	v55 =	vld [tilespmem:$0x110];
	[tilespmem:$0x5520] =	vst v3  }
0xde: {  	v2 =	vld [tilespmem:$0xA0];
	[tilespmem:$0x5530] =	vst v52  }
0xdf: {  	v3 =	vld [tilespmem:$0xB0];
	[tilespmem:$0x5580] =	vst v53  }
0xe0: {  	[tilespmem:$0x5590] =	vst v1;
	v1 =	vld [tilespmem:$0x120]  }
0xe1: {  	v56 =	vld [tilespmem:$0x190];
	[tilespmem:$0x5600] =	vst v54  }
0xe2: {  	v57 =	vld [tilespmem:$0x1A0];
	[tilespmem:$0x5610] =	vst v55  }
0xe3: {  	[tilespmem:$0x55A0] =	vst v2;
	v2 =	vld [tilespmem:$0x130]  }
0xe4: {  	[tilespmem:$0x55B0] =	vst v3;
	v3 =	vld [tilespmem:$0x180]  }
0xe5: {  	[tilespmem:$0x5620] =	vst v1;
	v1 =	vld [tilespmem:$0x1B0]  }
0xe6: {  	[tilespmem:$0x5690] =	vst v56  }
0xe7: {  	[tilespmem:$0x56A0] =	vst v57  }
0xe8: {  	[tilespmem:$0x5630] =	vst v2  }
0xe9: {  	p1 =	seq.s32 s0, $0x3F;
	s6 =	sshll.u32 s3, $0xA;
	[tilespmem:$0x5680] =	vst v3  }
0xea: {  	s10 =	sshll.u32 s3, $0x4;
	s2 =	sadd.s32 s8, s6;
	s6 =	sadd.s32 @!p1 s0, s13;
	[tilespmem:$0x56B0] =	vst v1  }
0xeb: {  	[hbm4b:s2+s4] =	stream.linear.scatter [tilespmem:s21], [sflag:$0x3], $0x8000, $0x38;
	[tilespmem:$0x15900] =	vst v63  }
0xec: {  	s14 =	simm.s32 @!p1 $0x0;
	s6 =	smul.u32 @!p1 $0x880, s6;
	s2 =	sadd.s32 s7, s10  }
0xed: {  	[hbm4b:s2+s4] =	stream.linear.scatter [tilespmem:s22], [sflag:$0x5], $0x200, $0x38;
	[tilespmem:$0x15900] =	vst v63  }
0xee: {  	s10 =	simm.s32 @!p1 $0x400;
	s2 =	sadd.s32 @!p1 s1, s6;
	s6 =	simm.s32 @!p1 $0x200  }
0xef: {  	[tilespmem:s14], [sflag:$0x1] =	stream.strided.gather @!p1 [hbm4b:s2+s6], $0x2200, s10, s6, $0x38;
	[tilespmem:$0x15900] =	vst v63  }
0xf0: {  	_ =	swait.ge [sflag:s23], $0x2200  }
0xf1: {  	[sflag:s23] =	ssyncset.done $0x0  }
0xf2: {  	s2 =	simm.s32 @!p0 $0x4;
	[sflag:s23] =	ssyncadd.s32 $0xFFFFDE00  }
0xf3: {  	_ =	swait.ge @!p0 [sflag:s2], $0x8000  }
0xf4: {  	[sflag:s2] =	ssyncset.done @!p0 $0x0  }
0xf5: {  	[sflag:s2] =	ssyncadd.s32 @!p0 $0xFFFF8000;
	s2 =	simm.s32 @!p0 $0x6  }
0xf6: {  	s16 =	simm.s32 $0x100;
	s14 =	simm.s32 $0x40;
	_ =	swait.ge @!p0 [sflag:s2], $0x200  }
0xf7: {  	s10 =	sand.u32 $0x7E00, s16;
	s6 =	sand.u32 $0x70, s14;
	[sflag:s2] =	ssyncset.done @!p0 $0x0  }
0xf8: {  	s14 =	sor.u32 s6, s10;
	[sflag:s2] =	ssyncadd.s32 @!p0 $0xFFFFFE00  }
0xf9: {  	v1 =	vld [tilespmem:s14+$0x2200];
	_ =	sdelay $0x3  }
0xfa: {  	s16 =	simm.s32 $0x0  }
0xfb: {  	v2 =	vld [tilespmem:s16+$0x4C80];
	v3 =	vmul.f32 $1.442695020e+00, v1  }
0xfc: {  	v58 =	vld [tilespmem:s16+$0x4400]  }
0xfd: {  	(erf) = vpow2.f32 v3;
	_ =	sdelay $0x3  }
0xfe: {  	v59 =	vshll.u32 v58, $0x7;
	v3 =	vand.u32 $0xFFFFFF80, v2  }
0xff: {  	v60 =	vand.u32 $0x7F, v2;
	v3 =	vadd.s32 v59, v3  }
0x100: {  	v3 =	vor.u32 v60, v3;
	_ =	sdelay $0x2  }
0x101: {  	vm15 =	veq.s32 v58, v2;
	v2 =	vpop (erf)  }
0x102: {  	v1 =	vsel vm15, v2, v1  }
0x103: {  	[tilespmem:v3+s24+$0x0] =	vst.idx.msk $0xffff, v1  }
0x104: {  	v1 =	vld [tilespmem:s14+$0x2280];
	_ =	sdelay $0x4  }
0x105: {  	v2 =	vmul.f32 $1.442695020e+00, v1;
	_ =	sdelay $0x1  }
0x106: {  	(erf) = vpow2.f32 v2;
	_ =	sdelay $0x5  }
0x107: {  	v2 =	vadd.s32 $0x2000, v3;
	_ =	sdelay $0x2  }
0x108: {  	v61 =	vpop (erf)  }
0x109: {  	v1 =	vsel vm15, v61, v1  }
0x10a: {  	[tilespmem:v2+s24+$0x0] =	vst.idx.msk $0xffff, v1  }
0x10b: {  	v1 =	vld [tilespmem:s14+$0x2300];
	_ =	sdelay $0x4  }
0x10c: {  	v2 =	vmul.f32 $1.442695020e+00, v1;
	_ =	sdelay $0x1  }
0x10d: {  	(erf) = vpow2.f32 v2;
	_ =	sdelay $0x5  }
0x10e: {  	v2 =	vadd.s32 $0x4000, v3;
	_ =	sdelay $0x2  }
0x10f: {  	v62 =	vpop (erf)  }
0x110: {  	v1 =	vsel vm15, v62, v1  }
0x111: {  	[tilespmem:v2+s24+$0x0] =	vst.idx.msk $0xffff, v1  }
0x112: {  	v2 =	vld [tilespmem:s14+$0x2380];
	_ =	sdelay $0x4  }
0x113: {  	v1 =	vmul.f32 $1.442695020e+00, v2;
	_ =	sdelay $0x1  }
0x114: {  	(erf) = vpow2.f32 v1;
	_ =	sdelay $0x6  }
0x115: {  	v1 =	vadd.s32 $0x6000, v3  }
0x116: {  	s10 =	simm.s32 $0x50  }
0x117: {  	s3 =	sor.u32 $0x4, s3;
	s6 =	sand.u32 $0x70, s10;
	s16 =	simm.s32 $0x140;
	v63 =	vpop (erf)  }
0x118: {  	s2 =	simm.s32 $0x40;
	s16 =	sand.u32 $0x7E00, s16;
	s14 =	simm.s32 $0x60;
	v2 =	vsel vm15, v63, v2  }
.LBB2_13:
0x119: {  	p0 =	sne.s32 s14, $0x850  }
0x11a: {  	s6 =	sor.u32 s6, s16;
	[tilespmem:v1+s24+$0x0] =	vst.idx.msk $0xffff, v2;
	s16 =	smov.u32 s14;
	s14 =	sadd.s32 $0x10, s14  }
0x11b: {  	v1 =	vld [tilespmem:s6+$0x2200];
	_ =	sdelay $0x3  }
0x11c: {  	s10 =	sshra.s32 s2, $0x2  }
0x11d: {  	v2 =	vld [tilespmem:s10+$0x4C80];
	v3 =	vmul.f32 $1.442695020e+00, v1  }
0x11e: {  	v4 =	vld [tilespmem:s10+$0x4400]  }
0x11f: {  	(erf) = vpow2.f32 v3;
	_ =	sdelay $0x3  }
0x120: {  	v3 =	vand.u32 $0xFFFFFF80, v2;
	v5 =	vshll.u32 v4, $0x7  }
0x121: {  	v6 =	vand.u32 $0x7F, v2;
	v3 =	vadd.s32 v5, v3  }
0x122: {  	v3 =	vor.u32 v6, v3;
	_ =	sdelay $0x2  }
0x123: {  	vm0 =	veq.s32 v4, v2;
	v2 =	vpop (erf)  }
0x124: {  	v1 =	vsel vm0, v2, v1  }
0x125: {  	[tilespmem:v3+s24+$0x0] =	vst.idx.msk $0xffff, v1  }
0x126: {  	v1 =	vld [tilespmem:s6+$0x2280];
	_ =	sdelay $0x4  }
0x127: {  	v2 =	vmul.f32 $1.442695020e+00, v1;
	_ =	sdelay $0x1  }
0x128: {  	(erf) = vpow2.f32 v2;
	_ =	sdelay $0x5  }
0x129: {  	v2 =	vadd.s32 $0x2000, v3;
	_ =	sdelay $0x2  }
0x12a: {  	v4 =	vpop (erf)  }
0x12b: {  	v1 =	vsel vm0, v4, v1  }
0x12c: {  	[tilespmem:v2+s24+$0x0] =	vst.idx.msk $0xffff, v1  }
0x12d: {  	v1 =	vld [tilespmem:s6+$0x2300];
	_ =	sdelay $0x4  }
0x12e: {  	v2 =	vmul.f32 $1.442695020e+00, v1;
	_ =	sdelay $0x1  }
0x12f: {  	(erf) = vpow2.f32 v2;
	_ =	sdelay $0x5  }
0x130: {  	v2 =	vadd.s32 $0x4000, v3;
	_ =	sdelay $0x2  }
0x131: {  	v4 =	vpop (erf)  }
0x132: {  	v1 =	vsel vm0, v4, v1  }
0x133: {  	[tilespmem:v2+s24+$0x0] =	vst.idx.msk $0xffff, v1  }
0x134: {  	v2 =	vld [tilespmem:s6+$0x2380];
	_ =	sdelay $0x4  }
0x135: {  	v1 =	vmul.f32 $1.442695020e+00, v2;
	_ =	sdelay $0x1  }
0x136: {  	(erf) = vpow2.f32 v1;
	_ =	sdelay $0x5  }
.Ltmp7:
0x137: {  	v1 =	vadd.s32 $0x6000, v3;
	(pc) =	sbr.rel @p0 .LBB2_13-.Ltmp7, $4  }
0x138: {  	_ = 	snop  }
0x139: {  	s2 =	sadd.s32 $0x40, s2  }
0x13a: {  	s10 =	sadd.s32 $0x100, s2;
	v3 =	vpop (erf)  }
0x13b: {  	s6 =	sand.u32 $0x70, s16;
	s16 =	sand.u32 $0x7E00, s10;
	v2 =	vsel vm0, v3, v2  }
0x13c: {  	_ =	sdelay $0x3  }
0x13d: {  	s6 =	sor.u32 s6, s16;
	[tilespmem:v1+s24+$0x0] =	vst.idx.msk $0xffff, v2  }
0x13e: {  	v1 =	vld [tilespmem:s6+$0x2200];
	_ =	sdelay $0x3  }
0x13f: {  	s2 =	sshra.s32 s2, $0x2  }
0x140: {  	v2 =	vld [tilespmem:s2+$0x4C80];
	v3 =	vmul.f32 $1.442695020e+00, v1  }
0x141: {  	v4 =	vld [tilespmem:s2+$0x4400]  }
0x142: {  	(erf) = vpow2.f32 v3;
	_ =	sdelay $0x3  }
0x143: {  	v5 =	vshll.u32 v4, $0x7;
	v3 =	vand.u32 $0xFFFFFF80, v2  }
0x144: {  	v6 =	vand.u32 $0x7F, v2;
	v3 =	vadd.s32 v5, v3  }
0x145: {  	v3 =	vor.u32 v6, v3;
	_ =	sdelay $0x2  }
0x146: {  	vm0 =	veq.s32 v4, v2;
	v2 =	vpop (erf)  }
0x147: {  	v1 =	vsel vm0, v2, v1  }
0x148: {  	[tilespmem:v3+s24+$0x0] =	vst.idx.msk $0xffff, v1  }
0x149: {  	v1 =	vld [tilespmem:s6+$0x2280];
	_ =	sdelay $0x4  }
0x14a: {  	v2 =	vmul.f32 $1.442695020e+00, v1;
	_ =	sdelay $0x1  }
0x14b: {  	(erf) = vpow2.f32 v2;
	_ =	sdelay $0x5  }
0x14c: {  	v2 =	vadd.s32 $0x2000, v3;
	_ =	sdelay $0x2  }
0x14d: {  	v56 =	vpop (erf)  }
0x14e: {  	v1 =	vsel vm0, v56, v1  }
0x14f: {  	[tilespmem:v2+s24+$0x0] =	vst.idx.msk $0xffff, v1  }
0x150: {  	v1 =	vld [tilespmem:s6+$0x2300];
	_ =	sdelay $0x4  }
0x151: {  	v2 =	vmul.f32 $1.442695020e+00, v1;
	_ =	sdelay $0x1  }
0x152: {  	(erf) = vpow2.f32 v2;
	_ =	sdelay $0x5  }
0x153: {  	v2 =	vadd.s32 $0x4000, v3;
	_ =	sdelay $0x2  }
0x154: {  	v57 =	vpop (erf)  }
0x155: {  	v1 =	vsel vm0, v57, v1  }
0x156: {  	[tilespmem:v2+s24+$0x0] =	vst.idx.msk $0xffff, v1  }
0x157: {  	v1 =	vld [tilespmem:s6+$0x2380];
	_ =	sdelay $0x4  }
0x158: {  	v2 =	vmul.f32 $1.442695020e+00, v1;
	_ =	sdelay $0x1  }
0x159: {  	(erf) = vpow2.f32 v2;
	_ =	sdelay $0x5  }
0x15a: {  	v2 =	vadd.s32 $0x6000, v3;
	_ =	sdelay $0x2  }
0x15b: {  	v3 =	vpop (erf)  }
0x15c: {  	v1 =	vsel vm0, v3, v1  }
0x15d: {  	[tilespmem:v2+s24+$0x0] =	vst.idx.msk $0xffff, v1  }
0x15e: {  	v1 =	vld [tilespmem:$0x2200]  }
0x15f: {  	v2 =	vld [tilespmem:$0x2210]  }
0x160: {  	v3 =	vld [tilespmem:$0x2220]  }
0x161: {  	v58 =	vld [tilespmem:$0x2230]  }
0x162: {  	v59 =	vld [tilespmem:$0x2280]  }
0x163: {  	[tilespmem:$0x5700] =	vst v1;
	v1 =	vld [tilespmem:$0x2290]  }
0x164: {  	v60 =	vld [tilespmem:$0x2300];
	[tilespmem:$0x5710] =	vst v2  }
0x165: {  	v61 =	vld [tilespmem:$0x2310];
	[tilespmem:$0x5720] =	vst v3  }
0x166: {  	v2 =	vld [tilespmem:$0x22A0];
	[tilespmem:$0x5730] =	vst v58  }
0x167: {  	v3 =	vld [tilespmem:$0x22B0];
	[tilespmem:$0x5780] =	vst v59  }
0x168: {  	[tilespmem:$0x5790] =	vst v1;
	v1 =	vld [tilespmem:$0x2320]  }
0x169: {  	v62 =	vld [tilespmem:$0x2390];
	[tilespmem:$0x5800] =	vst v60  }
0x16a: {  	v63 =	vld [tilespmem:$0x23A0];
	[tilespmem:$0x5810] =	vst v61  }
0x16b: {  	[tilespmem:$0x57A0] =	vst v2;
	v2 =	vld [tilespmem:$0x2330]  }
0x16c: {  	[tilespmem:$0x57B0] =	vst v3;
	v3 =	vld [tilespmem:$0x2380]  }
0x16d: {  	[tilespmem:$0x5820] =	vst v1;
	v1 =	vld [tilespmem:$0x23B0]  }
0x16e: {  	[tilespmem:$0x5890] =	vst v62  }
0x16f: {  	[tilespmem:$0x58A0] =	vst v63  }
0x170: {  	[tilespmem:$0x5830] =	vst v2  }
.Ltmp8:
0x171: {  	s14 =	sshll.u32 s3, $0xA;
	[tilespmem:$0x5880] =	vst v3;
	(pc) =	sbr.rel @p1 .LBB2_16-.Ltmp8, $4  }
0x172: {  	s16 =	sshll.u32 s3, $0x4;
	s2 =	sadd.s32 s8, s14;
	[tilespmem:$0x58B0] =	vst v1  }
0x173: {  	[hbm4b:s2+s4] =	stream.linear.scatter [tilespmem:s24], [sflag:$0x4], $0x8000, $0x38;
	[tilespmem:$0x15900] =	vst v63  }
0x174: {  	s2 =	sadd.s32 s7, s16  }
0x175: {  	[hbm4b:s2+s4] =	stream.linear.scatter [tilespmem:s25], [sflag:$0x6], $0x200, $0x38;
	[tilespmem:$0x15900] =	vst v63  }
.Ltmp9:
0x176: {  	s2 =	sadd.s32 s0, s13;
	(pc) =	sbr.rel .LBB2_10-.Ltmp9, $3  }
0x177: {  	s2 =	smul.u32 $0x880, s2;
	_ =	sdelay $0x1  }
0x178: {  	s0 =	sadd.s32 $0x1, s0;
	s2 =	sadd.s32 s2, s9  }
0x179: {  	[tilespmem:s19], [sflag:$0x2] =	stream.strided.gather [hbm4b:s2+s17], $0x2200, s18, s17, $0x38;
	[tilespmem:$0x15900] =	vst v63  }
.LBB2_17:
0x17a: {  	_ =	sfence.sel $0x180000  }
0x17b: {  	[bflag:$0x0] =	sbarrier.arrive $0xFFFF  }
0x17c: {  	_ =	strace $0x90000047  }
0x17d: {  	s0 =	stileid.u32;
	[bflag:$0x2] =	sbarrier.arrive $0xFFFF  }
0x17e: {  	p0 =	sne.s32 s0, $0x0;
	s0 =	rddreg [dreg:$0x3]  }
0x17f: {  	s0 =	sadd.s32 @!p0 $0x100000, s0  }
0x180: {  	[sflag:s0] =	ssyncadd.tile.s32 @!p0 $0x1;
	_ =	shalt  }
.Lfunc_end2:
_tile_overlayer_lowered:
.L_overlay_start_2:
0x181: {  	(tag) =	ssettag $0x2  }
0x182: {  	s0 =	rddreg [dreg:$0x0];
	s2 =	stileid.u32  }
0x183: {  	s1 =	rddreg [dreg:$0x1];
	p0 =	sne.s32 s2, $0x0  }
0x184: {  	s3 =	rddreg [dreg:$0x2];
	[bflag:$0x3] =	sbarrier.arrive $0xFFFF;
	s2 =	simm.s32 @!p0 $0x1C07  }
0x185: {  	[timem:s3], [sflag:s2] =	dma.local @!p0 [hbm:s0], s1  }
0x186: {  	s0 =	simm.s32 @!p0 $0x7  }
0x187: {  	_ =	swait.ge @!p0 [sflag:s0], s1  }
0x188: {  	s1 =	ssub.s32 @!p0 $0x0, s1;
	[sflag:s0] =	ssyncset.done @!p0 $0x0  }
0x189: {  	[sflag:s0] =	ssyncadd.s32 @!p0 s1  }
0x18a: {  	[bflag:$0x3] =	sbarrier.arrive $0xFFFF  }
0x18b: {  	_ =	shalt  }

</sc_bundles>
